<compile_context>
chip_gen: v7x
topology: tpu7x:2x2x1
jax: 0.10.2.dev20260603
libtpu: 0.0.44.dev20260713+nightly
codegen_flags: <defaults>
</compile_context>

<pallas_src>
import dataclasses
import functools

import jax
import jax.numpy as jnp
from jax import lax
from jax.experimental import pallas as pl
from jax.experimental.pallas import tpu as pltpu
from jax.experimental.pallas import tpu_sc as plsc

B = 1024
SHIFT = B.bit_length() - 1
SCALE = B / 16.0
STRIDE = 2 * B + 1
NC = 2
NS = 16
L = 16
NW = NC * NS
HSIZE = L * STRIDE
BLK = 8192
UNROLL = 8


def _sc_compiler_params():
    cp = pltpu.CompilerParams()
    if "needs_layout_passes" in pltpu.CompilerParams.__dataclass_fields__:
        cp = dataclasses.replace(cp, needs_layout_passes=False)
    cp = dataclasses.replace(cp, use_tc_tiling_on_sc=True)
    return cp


ROWS = 32


def _sc_histogram(x, t):
    nrows = x.shape[0]
    grid = nrows // ROWS
    mesh = plsc.VectorSubcoreMesh(core_axis_name="c", subcore_axis_name="s")

    @functools.partial(
        pl.kernel,
        out_type=jax.ShapeDtypeStruct((NW, 2 * B), jnp.float32),
        mesh=mesh,
        scratch_types=[pltpu.VMEM((HSIZE,), jnp.float32),
                       pltpu.VMEM((2 * B,), jnp.float32)],
        compiler_params=_sc_compiler_params(),
    )
    def hist_kernel(x_hbm, t_hbm, h_out, h_ref, fold_ref):
        wid = lax.axis_index("s") * NC + lax.axis_index("c")
        zeros = jnp.zeros((L,), jnp.float32)

        @plsc.parallel_loop(0, HSIZE, step=L, unroll=4)
        def _zero(c):
            h_ref[pl.ds(c, L)] = zeros

        laneoff = lax.iota(jnp.int32, L) * STRIDE
        ones = jnp.ones((L,), jnp.float32)

        def body(x_v, t_v):
            @pl.loop(0, ROWS)
            def _rows(r):
                @plsc.parallel_loop(0, 512, step=L, unroll=UNROLL)
                def _elems(i):
                    xv = x_v[r, pl.ds(i, L)]
                    tv = t_v[r, pl.ds(i, L)]
                    vf = (B / 2.0) - xv * SCALE
                    vf = jnp.minimum(jnp.maximum(vf, 0.0), B - 1.0)
                    bn = vf.astype(jnp.int32) + lax.shift_left(tv, SHIFT)
                    plsc.addupdate_scatter(h_ref, [bn + laneoff], ones)

        pltpu.emit_pipeline(
            body,
            grid=(grid,),
            in_specs=[pl.BlockSpec((ROWS, 512), lambda i: (i, 0)),
                      pl.BlockSpec((ROWS, 512), lambda i: (i, 0))],
            out_specs=[],
            core_axis_name=("c", "s"),
            dimension_semantics=(pltpu.PARALLEL,),
        )(x_hbm, t_hbm)

        @plsc.parallel_loop(0, 2 * B, step=L, unroll=2)
        def _fold(g):
            acc = h_ref[pl.ds(g, L)]
            for l in range(1, L):
                acc = acc + h_ref[pl.ds(l * STRIDE + g, L)]
            fold_ref[pl.ds(g, L)] = acc

        pltpu.sync_copy(fold_ref, h_out.at[wid])

    return hist_kernel(x, t)


def _combine(h_all, p_total):
    def body(h_ref, o_ref):
        Ht = jnp.sum(h_ref[...], axis=0, keepdims=True)
        H0 = lax.slice(Ht, (0, 0), (1, B))
        H1 = lax.slice(Ht, (0, B), (1, 2 * B))

        col = lax.broadcasted_iota(jnp.int32, (1, B), 1).astype(jnp.float32)
        xc = 8.0 - (col + 0.5) * (1.0 / SCALE)
        pc = 1.0 / (1.0 + jnp.exp(-xc))

        N1 = jnp.sum(H1)
        Sp1 = jnp.sum(H1 * pc)

        c = H0
        k = 1
        while k < B:
            shifted = jnp.concatenate(
                [jnp.zeros((1, k), jnp.float32), lax.slice(c, (0, 0), (1, B - k))],
                axis=1)
            c = c + shifted
            k *= 2
        a = c - H0

        den = jnp.maximum((N1 + a) * (N1 + a + H0), 1.0)
        contrib0 = jnp.sum((1.0 + pc) * H0 * (N1 / den))
        loss_main = contrib0 + (N1 - Sp1) / p_total

        bstar = jnp.min(jnp.where(H0 > 0.0, col, float(B)))
        xup = 8.0 - bstar * (1.0 / SCALE)
        loss0 = 1.0 + 1.0 / (1.0 + jnp.exp(-xup))

        loss = jnp.where(N1 > 0.0, loss_main, loss0)
        o_ref[...] = jnp.broadcast_to(loss, (1, 1))

    out = pl.pallas_call(
        body,
        out_shape=jax.ShapeDtypeStruct((1, 1), jnp.float32),
    )(h_all)
    return out[0, 0]


def kernel(inputs, targets):
    x = inputs.reshape(-1, inputs.shape[-1])
    t = targets.reshape(-1, targets.shape[-1])
    h_all = _sc_histogram(x, t)
    return _combine(h_all, float(x.size))

# --- scband reference (transcript-rebuilt; emitter-appended) ---
"""Pipeline reference for scband-lovasz-hinge-loss-16853451670023 (READ-ONLY COPY).

The authoritative reference and input builder live on the scoring server;
editing this copy changes nothing except your own understanding.
"""

import jax, jax.numpy as jnp
import numpy as np


def setup_inputs(seed: int = 0) -> dict:
    key = jax.random.key(seed)
    k1, k2 = jax.random.split(key)
    inputs = jax.random.normal(k1, (16, 1, 512, 512), dtype=jnp.float32)
    targets = jax.random.randint(k2, (16, 1, 512, 512), 0, 2, dtype=jnp.int32)
    return {"inputs": inputs, "targets": targets}


def _lovasz_hinge_flat(logits, labels):
    # logits: [P] float, labels: [P] float (0 or 1)
    signs = 2.0 * labels - 1.0
    errors = 1.0 - logits * signs
    perm = jnp.argsort(-errors)  # descending sort (torch.sort descending=True)
    errors_sorted = errors[perm]
    gt_sorted = labels[perm]
    gts = gt_sorted.sum()
    intersection = gts - jnp.cumsum(gt_sorted)
    union = gts + jnp.cumsum(1.0 - gt_sorted)
    jaccard = 1.0 - intersection / union
    jaccard = jnp.concatenate([jaccard[:1], jaccard[1:] - jaccard[:-1]])
    loss = jnp.dot(jax.nn.relu(errors_sorted), jaccard)
    return loss


def reference(inputs, targets):
    # forward: inputs -> sigmoid -> lovasz_hinge(per_image=False)
    probs = jax.nn.sigmoid(inputs)
    logits_flat = probs.reshape(-1)
    labels_flat = targets.reshape(-1).astype(jnp.float32)
    return _lovasz_hinge_flat(logits_flat, labels_flat)

if __name__ == "__main__":
    import jax
    _d = setup_inputs()
    print(jax.jit(kernel)(*tuple(_d.values())))

</pallas_src>

<mosaic_0001>
#map = affine_map<(d0, d1) -> (0, 0)>
module attributes {stable_mosaic.version = 14 : i64} {
  func.func @hist_kernel(%arg0: i32, %arg1: i32, %arg2: memref<8192x512xf32, #tpu.memory_space<hbm>>, %arg3: memref<8192x512xi32, #tpu.memory_space<hbm>>, %arg4: memref<32x2048xf32, #tpu.memory_space<hbm>>, %arg5: memref<32784xf32, #tpu.memory_space<vmem>>, %arg6: memref<2048xf32, #tpu.memory_space<vmem>>) attributes {dimension_semantics = [#tpu.dimension_semantics<core_parallel>, #tpu.dimension_semantics<subcore_parallel>], iteration_bounds = array<i64: 2, 16>, scalar_prefetch = 0 : i64, scratch_operands = 2 : i64, tpu.core_type = #tpu.core_type<sc_vector_subcore>, window_params = [{transform_indices = #map}, {transform_indices = #map}, {transform_indices = #map}]} {
    %mul3A = arith.constant 2 : i32
    %mul3A_0 = arith.muli %arg1, %mul3A : i32
    %add3A = arith.addi %mul3A_0, %arg0 : i32
    %broadcast_in_dim3A = arith.constant 0.000000e+00 : f32
    %broadcast_in_dim3A_1 = vector.broadcast %broadcast_in_dim3A : f32 to vector<16xf32>
    %parallel_loop3A = arith.constant 0 : i32
    %parallel_loop3A_2 = arith.constant 32784 : i32
    %parallel_loop3A_3 = arith.constant 16 : i32
    scf.for %parallel_loop3A_21 = %parallel_loop3A to %parallel_loop3A_2 step %parallel_loop3A_3  : i32 {
      %parallel_loop3A_22 = arith.index_cast %parallel_loop3A_21 : i32 to index
      %parallel_loop3A_23 = tpu.vector_load %arg5[%parallel_loop3A_22] {strides = array<i32>} : memref<32784xf32, #tpu.memory_space<vmem>>, vector<16xf32>,
      tpu.vector_store %arg5[%parallel_loop3A_22], %broadcast_in_dim3A_1 {strides = array<i32>} : memref<32784xf32, #tpu.memory_space<vmem>>, vector<16xf32>,
    } {sc.loop_unroll_factor = 4 : i64, sc.parallel_access}
    %iota3A = tpu.iota {dimensions = array<i32: 0>} : vector<16xi32>
    %mul3A_4 = arith.constant 2049 : i32
    %mul3A_5 = vector.broadcast %mul3A_4 : i32 to vector<16xi32>
    %mul3A_6 = arith.muli %iota3A, %mul3A_5 : vector<16xi32>
    %broadcast_in_dim3A_7 = arith.constant 1.000000e+00 : f32
    %broadcast_in_dim3A_8 = vector.broadcast %broadcast_in_dim3A_7 : f32 to vector<16xf32>
    %mul3A_9 = arith.constant 1 : i32
    %mul3A_10 = arith.muli %arg1, %mul3A_9 : i32
    %add3A_11 = arith.constant 0 : i32
    %add3A_12 = arith.addi %add3A_11, %mul3A_10 : i32
    %mul3A_13 = arith.constant 16 : i32
    %mul3A_14 = arith.muli %arg0, %mul3A_13 : i32
    %add3A_15 = arith.addi %add3A_12, %mul3A_14 : i32
    %mul3A_16 = arith.constant 8 : i32
    %mul3A_17 = arith.muli %add3A_15, %mul3A_16 : i32
    "tpu.region"() ({
      %run_scoped3A = memref.alloca() : memref<2x32x512xf32, #tpu.memory_space<vmem>>
      %run_scoped3A_21 = tpu.sem_alloc : memref<2x!tpu.dma_semaphore, #tpu.memory_space<semaphore_mem>>
      %run_scoped3A_22 = memref.alloca() : memref<2x32x512xi32, #tpu.memory_space<vmem>>
      %run_scoped3A_23 = tpu.sem_alloc : memref<2x!tpu.dma_semaphore, #tpu.memory_space<semaphore_mem>>
      %add3A_24 = arith.constant 0 : i32
      %add3A_25 = arith.addi %add3A_24, %mul3A_17 : i32
      %select_n3A = arith.constant true
      %select_n3A_26 = arith.constant 0 : i32
      %select_n3A_27 = arith.constant -1 : i32
      %select_n3A_28 = arith.select %select_n3A, %select_n3A_27, %select_n3A_26 : i32
      %eq3A = arith.constant -1 : i32
      %eq3A_29 = arith.cmpi eq, %select_n3A_28, %eq3A : i32
      %select_n3A_30 = arith.constant 7 : i32
      %select_n3A_31 = arith.select %eq3A_29, %select_n3A_30, %select_n3A_28 : i32
      %add3A_32 = arith.addi %select_n3A_31, %mul3A_17 : i32
      %select_n3A_33 = arith.constant true
      %select_n3A_34 = arith.constant 0 : i32
      %select_n3A_35 = arith.constant 1 : i32
      %select_n3A_36 = arith.select %select_n3A_33, %select_n3A_35, %select_n3A_34 : i32
      %eq3A_37 = arith.constant 8 : i32
      %eq3A_38 = arith.cmpi eq, %select_n3A_36, %eq3A_37 : i32
      %select_n3A_39 = arith.constant 0 : i32
      %select_n3A_40 = arith.select %eq3A_38, %select_n3A_39, %select_n3A_36 : i32
      %add3A_41 = arith.addi %select_n3A_40, %mul3A_17 : i32
      %add3A_42 = arith.constant 1 : i32
      %add3A_43 = arith.addi %select_n3A_40, %add3A_42 : i32
      %select_n3A_44 = arith.constant true
      %select_n3A_45 = arith.select %select_n3A_44, %add3A_43, %select_n3A_40 : i32
      %eq3A_46 = arith.constant 8 : i32
      %eq3A_47 = arith.cmpi eq, %select_n3A_45, %eq3A_46 : i32
      %select_n3A_48 = arith.constant 0 : i32
      %select_n3A_49 = arith.select %eq3A_47, %select_n3A_48, %select_n3A_45 : i32
      %add3A_50 = arith.addi %select_n3A_49, %mul3A_17 : i32
      "tpu.trace_start"() <{level = 10 : i32, message = "ep_initialize_0"}> : () -> ()
      %rem3A = arith.constant 0 : i32
      %rem3A_51 = arith.constant 2 : i32
      %rem3A_52 = arith.remui %rem3A, %rem3A_51 : i32
      %mul3A_53 = arith.constant 32 : i32
      %mul3A_54 = arith.muli %mul3A_53, %add3A_25 : i32
      %dma_start3A = arith.constant 0 : i32
      %dma_start3A_55 = arith.constant 0 : i32
      %dma_start3A_56 = tpu.memref_slice %run_scoped3A[%rem3A_52, %dma_start3A, %dma_start3A_55] : memref<2x32x512xf32, #tpu.memory_space<vmem>> -> memref<1x32x512xf32, #tpu.memory_space<vmem>>
      %dma_start3A_57 = tpu.memref_squeeze %dma_start3A_56 : memref<1x32x512xf32, #tpu.memory_space<vmem>> -> memref<32x512xf32, #tpu.memory_space<vmem>>
      %dma_start3A_58 = arith.constant 0 : i32
      %dma_start3A_59 = tpu.memref_slice %arg2[%mul3A_54, %dma_start3A_58] : memref<8192x512xf32, #tpu.memory_space<hbm>> -> memref<32x512xf32, #tpu.memory_space<hbm>>
      %dma_start3A_60 = tpu.memref_slice %run_scoped3A_21[%rem3A_52] : memref<2x!tpu.dma_semaphore, #tpu.memory_space<semaphore_mem>> -> memref<1x!tpu.dma_semaphore, #tpu.memory_space<semaphore_mem>>
      %dma_start3A_61 = tpu.memref_squeeze %dma_start3A_60 : memref<1x!tpu.dma_semaphore, #tpu.memory_space<semaphore_mem>> -> memref<!tpu.dma_semaphore, #tpu.memory_space<semaphore_mem>>
      %dma_start3A_62 = arith.constant 0 : i32
      %dma_start3A_63 = arith.constant 0 : i32
      %dma_start3A_64 = tpu.memref_slice %run_scoped3A[%rem3A_52, %dma_start3A_62, %dma_start3A_63] : memref<2x32x512xf32, #tpu.memory_space<vmem>> -> memref<1x32x512xf32, #tpu.memory_space<vmem>>
      %dma_start3A_65 = tpu.memref_squeeze %dma_start3A_64 : memref<1x32x512xf32, #tpu.memory_space<vmem>> -> memref<32x512xf32, #tpu.memory_space<vmem>>
      %dma_start3A_66 = arith.constant 0 : i32
      %dma_start3A_67 = tpu.memref_slice %arg2[%mul3A_54, %dma_start3A_66] : memref<8192x512xf32, #tpu.memory_space<hbm>> -> memref<32x512xf32, #tpu.memory_space<hbm>>
      tpu.enqueue_dma source(%dma_start3A_67 : memref<32x512xf32, #tpu.memory_space<hbm>>) target(%dma_start3A_65 : memref<32x512xf32, #tpu.memory_space<vmem>>) target_semaphore(%dma_start3A_61 : memref<!tpu.dma_semaphore, #tpu.memory_space<semaphore_mem>>)
      %add3A_68 = arith.constant 0 : i32
      %add3A_69 = arith.constant 1 : i32
      %add3A_70 = arith.addi %add3A_68, %add3A_69 : i32
      %select_n3A_71 = arith.constant true
      %select_n3A_72 = arith.constant 0 : i32
      %select_n3A_73 = arith.select %select_n3A_71, %add3A_70, %select_n3A_72 : i32
      %rem3A_74 = arith.constant 0 : i32
      %rem3A_75 = arith.constant 2 : i32
      %rem3A_76 = arith.remui %rem3A_74, %rem3A_75 : i32
      %mul3A_77 = arith.constant 32 : i32
      %mul3A_78 = arith.muli %mul3A_77, %add3A_25 : i32
      %dma_start3A_79 = arith.constant 0 : i32
      %dma_start3A_80 = arith.constant 0 : i32
      %dma_start3A_81 = tpu.memref_slice %run_scoped3A_22[%rem3A_76, %dma_start3A_79, %dma_start3A_80] : memref<2x32x512xi32, #tpu.memory_space<vmem>> -> memref<1x32x512xi32, #tpu.memory_space<vmem>>
      %dma_start3A_82 = tpu.memref_squeeze %dma_start3A_81 : memref<1x32x512xi32, #tpu.memory_space<vmem>> -> memref<32x512xi32, #tpu.memory_space<vmem>>
      %dma_start3A_83 = arith.constant 0 : i32
      %dma_start3A_84 = tpu.memref_slice %arg3[%mul3A_78, %dma_start3A_83] : memref<8192x512xi32, #tpu.memory_space<hbm>> -> memref<32x512xi32, #tpu.memory_space<hbm>>
      %dma_start3A_85 = tpu.memref_slice %run_scoped3A_23[%rem3A_76] : memref<2x!tpu.dma_semaphore, #tpu.memory_space<semaphore_mem>> -> memref<1x!tpu.dma_semaphore, #tpu.memory_space<semaphore_mem>>
      %dma_start3A_86 = tpu.memref_squeeze %dma_start3A_85 : memref<1x!tpu.dma_semaphore, #tpu.memory_space<semaphore_mem>> -> memref<!tpu.dma_semaphore, #tpu.memory_space<semaphore_mem>>
      %dma_start3A_87 = arith.constant 0 : i32
      %dma_start3A_88 = arith.constant 0 : i32
      %dma_start3A_89 = tpu.memref_slice %run_scoped3A_22[%rem3A_76, %dma_start3A_87, %dma_start3A_88] : memref<2x32x512xi32, #tpu.memory_space<vmem>> -> memref<1x32x512xi32, #tpu.memory_space<vmem>>
      %dma_start3A_90 = tpu.memref_squeeze %dma_start3A_89 : memref<1x32x512xi32, #tpu.memory_space<vmem>> -> memref<32x512xi32, #tpu.memory_space<vmem>>
      %dma_start3A_91 = arith.constant 0 : i32
      %dma_start3A_92 = tpu.memref_slice %arg3[%mul3A_78, %dma_start3A_91] : memref<8192x512xi32, #tpu.memory_space<hbm>> -> memref<32x512xi32, #tpu.memory_space<hbm>>
      tpu.enqueue_dma source(%dma_start3A_92 : memref<32x512xi32, #tpu.memory_space<hbm>>) target(%dma_start3A_90 : memref<32x512xi32, #tpu.memory_space<vmem>>) target_semaphore(%dma_start3A_86 : memref<!tpu.dma_semaphore, #tpu.memory_space<semaphore_mem>>)
      %add3A_93 = arith.constant 0 : i32
      %add3A_94 = arith.constant 1 : i32
      %add3A_95 = arith.addi %add3A_93, %add3A_94 : i32
      %select_n3A_96 = arith.constant true
      %select_n3A_97 = arith.constant 0 : i32
      %select_n3A_98 = arith.select %select_n3A_96, %add3A_95, %select_n3A_97 : i32
      "tpu.trace_stop"() : () -> ()
      %scan3A = arith.constant 0 : i32
      %scan3A_99 = arith.constant 0 : i32
      %scan3A_100 = arith.constant 0 : i32
      %scan3A_101 = arith.constant 0 : i32
      %scan3A_102 = arith.constant 8 : i32
      %scan3A_103 = arith.addi %scan3A_101, %scan3A_102 : i32
      %scan3A_104 = arith.constant 1 : i32
      %scan3A_105:5 = scf.for %scan3A_142 = %scan3A_101 to %scan3A_103 step %scan3A_104 iter_args(%scan3A_143 = %select_n3A_73, %scan3A_144 = %scan3A, %scan3A_145 = %select_n3A_98, %scan3A_146 = %scan3A_99, %scan3A_147 = %scan3A_100) -> (i32, i32, i32, i32, i32)  : i32 {
        %eq3A_148 = arith.constant 0 : i32
        %eq3A_149 = arith.cmpi eq, %scan3A_142, %eq3A_148 : i32
        %eq3A_150 = arith.constant 7 : i32
        %eq3A_151 = arith.cmpi eq, %scan3A_142, %eq3A_150 : i32
        %add3A_152 = arith.addi %scan3A_147, %mul3A_17 : i32
        %sub3A_153 = arith.constant 1 : i32
        %sub3A_154 = arith.subi %scan3A_147, %sub3A_153 : i32
        %select_n3A_155 = arith.constant true
        %select_n3A_156 = arith.select %select_n3A_155, %sub3A_154, %scan3A_147 : i32
        %eq3A_157 = arith.constant -1 : i32
        %eq3A_158 = arith.cmpi eq, %select_n3A_156, %eq3A_157 : i32
        %select_n3A_159 = arith.constant 7 : i32
        %select_n3A_160 = arith.select %eq3A_158, %select_n3A_159, %select_n3A_156 : i32
        %add3A_161 = arith.addi %select_n3A_160, %mul3A_17 : i32
        %add3A_162 = arith.constant 1 : i32
        %add3A_163 = arith.addi %scan3A_147, %add3A_162 : i32
        %select_n3A_164 = arith.constant true
        %select_n3A_165 = arith.select %select_n3A_164, %add3A_163, %scan3A_147 : i32
        %eq3A_166 = arith.constant 8 : i32
        %eq3A_167 = arith.cmpi eq, %select_n3A_165, %eq3A_166 : i32
        %select_n3A_168 = arith.constant 0 : i32
        %select_n3A_169 = arith.select %eq3A_167, %select_n3A_168, %select_n3A_165 : i32
        %add3A_170 = arith.addi %select_n3A_169, %mul3A_17 : i32
        %add3A_171 = arith.constant 1 : i32
        %add3A_172 = arith.addi %select_n3A_169, %add3A_171 : i32
        %select_n3A_173 = arith.constant true
        %select_n3A_174 = arith.select %select_n3A_173, %add3A_172, %select_n3A_169 : i32
        %eq3A_175 = arith.constant 8 : i32
        %eq3A_176 = arith.cmpi eq, %select_n3A_174, %eq3A_175 : i32
        %select_n3A_177 = arith.constant 0 : i32
        %select_n3A_178 = arith.select %eq3A_176, %select_n3A_177, %select_n3A_174 : i32
        %add3A_179 = arith.addi %select_n3A_178, %mul3A_17 : i32
        %ne3A = arith.cmpi ne, %add3A_152, %add3A_170 : i32
        %or3A = arith.constant false
        %or3A_180 = arith.ori %or3A, %ne3A : i1
        %or3A_181 = arith.constant false
        %or3A_182 = arith.ori %or3A_180, %or3A_181 : i1
        %ge3A = arith.constant 7 : i32
        %ge3A_183 = arith.cmpi sge, %scan3A_142, %ge3A : i32
        %not3A = arith.constant true
        %not3A_184 = arith.xori %ge3A_183, %not3A : i1
        %and3A = arith.andi %or3A_182, %not3A_184 : i1
        %convert_element_type3A = arith.extui %and3A : i1 to i32
        %cond3A = arith.constant 0 : i32
        %cond3A_185 = arith.cmpi ne, %convert_element_type3A, %cond3A : i32
        scf.if %cond3A_185 {
          "tpu.trace_start"() <{level = 10 : i32, message = "ep_copy_in"}> : () -> ()
          %rem3A_310 = arith.constant 2 : i32
          %rem3A_311 = arith.remui %scan3A_143, %rem3A_310 : i32
          %mul3A_312 = arith.constant 32 : i32
          %mul3A_313 = arith.muli %mul3A_312, %add3A_170 : i32
          %dma_start3A_314 = arith.constant 0 : i32
          %dma_start3A_315 = arith.constant 0 : i32
          %dma_start3A_316 = tpu.memref_slice %run_scoped3A[%rem3A_311, %dma_start3A_314, %dma_start3A_315] : memref<2x32x512xf32, #tpu.memory_space<vmem>> -> memref<1x32x512xf32, #tpu.memory_space<vmem>>
          %dma_start3A_317 = tpu.memref_squeeze %dma_start3A_316 : memref<1x32x512xf32, #tpu.memory_space<vmem>> -> memref<32x512xf32, #tpu.memory_space<vmem>>
          %dma_start3A_318 = arith.constant 0 : i32
          %dma_start3A_319 = tpu.memref_slice %arg2[%mul3A_313, %dma_start3A_318] : memref<8192x512xf32, #tpu.memory_space<hbm>> -> memref<32x512xf32, #tpu.memory_space<hbm>>
          %dma_start3A_320 = tpu.memref_slice %run_scoped3A_21[%rem3A_311] : memref<2x!tpu.dma_semaphore, #tpu.memory_space<semaphore_mem>> -> memref<1x!tpu.dma_semaphore, #tpu.memory_space<semaphore_mem>>
          %dma_start3A_321 = tpu.memref_squeeze %dma_start3A_320 : memref<1x!tpu.dma_semaphore, #tpu.memory_space<semaphore_mem>> -> memref<!tpu.dma_semaphore, #tpu.memory_space<semaphore_mem>>
          %dma_start3A_322 = arith.constant 0 : i32
          %dma_start3A_323 = arith.constant 0 : i32
          %dma_start3A_324 = tpu.memref_slice %run_scoped3A[%rem3A_311, %dma_start3A_322, %dma_start3A_323] : memref<2x32x512xf32, #tpu.memory_space<vmem>> -> memref<1x32x512xf32, #tpu.memory_space<vmem>>
          %dma_start3A_325 = tpu.memref_squeeze %dma_start3A_324 : memref<1x32x512xf32, #tpu.memory_space<vmem>> -> memref<32x512xf32, #tpu.memory_space<vmem>>
          %dma_start3A_326 = arith.constant 0 : i32
          %dma_start3A_327 = tpu.memref_slice %arg2[%mul3A_313, %dma_start3A_326] : memref<8192x512xf32, #tpu.memory_space<hbm>> -> memref<32x512xf32, #tpu.memory_space<hbm>>
          tpu.enqueue_dma source(%dma_start3A_327 : memref<32x512xf32, #tpu.memory_space<hbm>>) target(%dma_start3A_325 : memref<32x512xf32, #tpu.memory_space<vmem>>) target_semaphore(%dma_start3A_321 : memref<!tpu.dma_semaphore, #tpu.memory_space<semaphore_mem>>)
          "tpu.trace_stop"() : () -> ()
        } else {
        }
        %and3A_186 = arith.constant true
        %and3A_187 = arith.andi %and3A, %and3A_186 : i1
        %add3A_188 = arith.constant 1 : i32
        %add3A_189 = arith.addi %scan3A_143, %add3A_188 : i32
        %select_n3A_190 = arith.select %and3A_187, %add3A_189, %scan3A_143 : i32
        %ne3A_191 = arith.cmpi ne, %add3A_152, %add3A_170 : i32
        %or3A_192 = arith.constant false
        %or3A_193 = arith.ori %or3A_192, %ne3A_191 : i1
        %or3A_194 = arith.constant false
        %or3A_195 = arith.ori %or3A_193, %or3A_194 : i1
        %ge3A_196 = arith.constant 7 : i32
        %ge3A_197 = arith.cmpi sge, %scan3A_142, %ge3A_196 : i32
        %not3A_198 = arith.constant true
        %not3A_199 = arith.xori %ge3A_197, %not3A_198 : i1
        %and3A_200 = arith.andi %or3A_195, %not3A_199 : i1
        %convert_element_type3A_201 = arith.extui %and3A_200 : i1 to i32
        %cond3A_202 = arith.constant 0 : i32
        %cond3A_203 = arith.cmpi ne, %convert_element_type3A_201, %cond3A_202 : i32
        scf.if %cond3A_203 {
          "tpu.trace_start"() <{level = 10 : i32, message = "ep_copy_in"}> : () -> ()
          %rem3A_310 = arith.constant 2 : i32
          %rem3A_311 = arith.remui %scan3A_145, %rem3A_310 : i32
          %mul3A_312 = arith.constant 32 : i32
          %mul3A_313 = arith.muli %mul3A_312, %add3A_170 : i32
          %dma_start3A_314 = arith.constant 0 : i32
          %dma_start3A_315 = arith.constant 0 : i32
          %dma_start3A_316 = tpu.memref_slice %run_scoped3A_22[%rem3A_311, %dma_start3A_314, %dma_start3A_315] : memref<2x32x512xi32, #tpu.memory_space<vmem>> -> memref<1x32x512xi32, #tpu.memory_space<vmem>>
          %dma_start3A_317 = tpu.memref_squeeze %dma_start3A_316 : memref<1x32x512xi32, #tpu.memory_space<vmem>> -> memref<32x512xi32, #tpu.memory_space<vmem>>
          %dma_start3A_318 = arith.constant 0 : i32
          %dma_start3A_319 = tpu.memref_slice %arg3[%mul3A_313, %dma_start3A_318] : memref<8192x512xi32, #tpu.memory_space<hbm>> -> memref<32x512xi32, #tpu.memory_space<hbm>>
          %dma_start3A_320 = tpu.memref_slice %run_scoped3A_23[%rem3A_311] : memref<2x!tpu.dma_semaphore, #tpu.memory_space<semaphore_mem>> -> memref<1x!tpu.dma_semaphore, #tpu.memory_space<semaphore_mem>>
          %dma_start3A_321 = tpu.memref_squeeze %dma_start3A_320 : memref<1x!tpu.dma_semaphore, #tpu.memory_space<semaphore_mem>> -> memref<!tpu.dma_semaphore, #tpu.memory_space<semaphore_mem>>
          %dma_start3A_322 = arith.constant 0 : i32
          %dma_start3A_323 = arith.constant 0 : i32
          %dma_start3A_324 = tpu.memref_slice %run_scoped3A_22[%rem3A_311, %dma_start3A_322, %dma_start3A_323] : memref<2x32x512xi32, #tpu.memory_space<vmem>> -> memref<1x32x512xi32, #tpu.memory_space<vmem>>
          %dma_start3A_325 = tpu.memref_squeeze %dma_start3A_324 : memref<1x32x512xi32, #tpu.memory_space<vmem>> -> memref<32x512xi32, #tpu.memory_space<vmem>>
          %dma_start3A_326 = arith.constant 0 : i32
          %dma_start3A_327 = tpu.memref_slice %arg3[%mul3A_313, %dma_start3A_326] : memref<8192x512xi32, #tpu.memory_space<hbm>> -> memref<32x512xi32, #tpu.memory_space<hbm>>
          tpu.enqueue_dma source(%dma_start3A_327 : memref<32x512xi32, #tpu.memory_space<hbm>>) target(%dma_start3A_325 : memref<32x512xi32, #tpu.memory_space<vmem>>) target_semaphore(%dma_start3A_321 : memref<!tpu.dma_semaphore, #tpu.memory_space<semaphore_mem>>)
          "tpu.trace_stop"() : () -> ()
        } else {
        }
        %and3A_204 = arith.constant true
        %and3A_205 = arith.andi %and3A_200, %and3A_204 : i1
        %add3A_206 = arith.constant 1 : i32
        %add3A_207 = arith.addi %scan3A_145, %add3A_206 : i32
        %select_n3A_208 = arith.select %and3A_205, %add3A_207, %scan3A_145 : i32
        %ne3A_209 = arith.cmpi ne, %add3A_152, %add3A_161 : i32
        %or3A_210 = arith.constant false
        %or3A_211 = arith.ori %or3A_210, %ne3A_209 : i1
        %or3A_212 = arith.constant false
        %or3A_213 = arith.ori %or3A_211, %or3A_212 : i1
        %or3A_214 = arith.ori %or3A_213, %eq3A_149 : i1
        %convert_element_type3A_215 = arith.extui %or3A_214 : i1 to i32
        %cond3A_216 = arith.constant 0 : i32
        %cond3A_217 = arith.cmpi ne, %convert_element_type3A_215, %cond3A_216 : i32
        scf.if %cond3A_217 {
          "tpu.trace_start"() <{level = 10 : i32, message = "ep_wait_in"}> : () -> ()
          %mul3A_310 = arith.constant 32 : i32
          %mul3A_311 = arith.muli %mul3A_310, %add3A_152 : i32
          %rem3A_312 = arith.constant 2 : i32
          %rem3A_313 = arith.remui %scan3A_144, %rem3A_312 : i32
          %dma_wait3A = arith.constant 0 : i32
          %dma_wait3A_314 = arith.constant 0 : i32
          %dma_wait3A_315 = tpu.memref_slice %run_scoped3A[%rem3A_313, %dma_wait3A, %dma_wait3A_314] : memref<2x32x512xf32, #tpu.memory_space<vmem>> -> memref<1x32x512xf32, #tpu.memory_space<vmem>>
          %dma_wait3A_316 = tpu.memref_squeeze %dma_wait3A_315 : memref<1x32x512xf32, #tpu.memory_space<vmem>> -> memref<32x512xf32, #tpu.memory_space<vmem>>
          %dma_wait3A_317 = arith.constant 0 : i32
          %dma_wait3A_318 = tpu.memref_slice %arg2[%mul3A_311, %dma_wait3A_317] : memref<8192x512xf32, #tpu.memory_space<hbm>> -> memref<32x512xf32, #tpu.memory_space<hbm>>
          %dma_wait3A_319 = tpu.memref_slice %run_scoped3A_21[%rem3A_313] : memref<2x!tpu.dma_semaphore, #tpu.memory_space<semaphore_mem>> -> memref<1x!tpu.dma_semaphore, #tpu.memory_space<semaphore_mem>>
          %dma_wait3A_320 = tpu.memref_squeeze %dma_wait3A_319 : memref<1x!tpu.dma_semaphore, #tpu.memory_space<semaphore_mem>> -> memref<!tpu.dma_semaphore, #tpu.memory_space<semaphore_mem>>
          %dma_wait3A_321 = arith.constant 0 : i32
          %dma_wait3A_322 = arith.constant 0 : i32
          %dma_wait3A_323 = tpu.memref_slice %run_scoped3A[%rem3A_313, %dma_wait3A_321, %dma_wait3A_322] : memref<2x32x512xf32, #tpu.memory_space<vmem>> -> memref<1x32x512xf32, #tpu.memory_space<vmem>>
          %dma_wait3A_324 = tpu.memref_squeeze %dma_wait3A_323 : memref<1x32x512xf32, #tpu.memory_space<vmem>> -> memref<32x512xf32, #tpu.memory_space<vmem>>
          %dma_wait3A_325 = arith.constant 0 : i32
          %dma_wait3A_326 = tpu.memref_slice %arg2[%mul3A_311, %dma_wait3A_325] : memref<8192x512xf32, #tpu.memory_space<hbm>> -> memref<32x512xf32, #tpu.memory_space<hbm>>
          tpu.wait_dma2 semaphore(%dma_wait3A_320 : memref<!tpu.dma_semaphore, #tpu.memory_space<semaphore_mem>>) src(%dma_wait3A_326 : memref<32x512xf32, #tpu.memory_space<hbm>>) dst(%dma_wait3A_324 : memref<32x512xf32, #tpu.memory_space<vmem>>)
          "tpu.trace_stop"() : () -> ()
        } else {
        }
        %ne3A_218 = arith.cmpi ne, %add3A_152, %add3A_161 : i32
        %or3A_219 = arith.constant false
        %or3A_220 = arith.ori %or3A_219, %ne3A_218 : i1
        %or3A_221 = arith.constant false
        %or3A_222 = arith.ori %or3A_220, %or3A_221 : i1
        %or3A_223 = arith.ori %or3A_222, %eq3A_149 : i1
        %convert_element_type3A_224 = arith.extui %or3A_223 : i1 to i32
        %cond3A_225 = arith.constant 0 : i32
        %cond3A_226 = arith.cmpi ne, %convert_element_type3A_224, %cond3A_225 : i32
        scf.if %cond3A_226 {
          "tpu.trace_start"() <{level = 10 : i32, message = "ep_wait_in"}> : () -> ()
          %mul3A_310 = arith.constant 32 : i32
          %mul3A_311 = arith.muli %mul3A_310, %add3A_152 : i32
          %rem3A_312 = arith.constant 2 : i32
          %rem3A_313 = arith.remui %scan3A_146, %rem3A_312 : i32
          %dma_wait3A = arith.constant 0 : i32
          %dma_wait3A_314 = arith.constant 0 : i32
          %dma_wait3A_315 = tpu.memref_slice %run_scoped3A_22[%rem3A_313, %dma_wait3A, %dma_wait3A_314] : memref<2x32x512xi32, #tpu.memory_space<vmem>> -> memref<1x32x512xi32, #tpu.memory_space<vmem>>
          %dma_wait3A_316 = tpu.memref_squeeze %dma_wait3A_315 : memref<1x32x512xi32, #tpu.memory_space<vmem>> -> memref<32x512xi32, #tpu.memory_space<vmem>>
          %dma_wait3A_317 = arith.constant 0 : i32
          %dma_wait3A_318 = tpu.memref_slice %arg3[%mul3A_311, %dma_wait3A_317] : memref<8192x512xi32, #tpu.memory_space<hbm>> -> memref<32x512xi32, #tpu.memory_space<hbm>>
          %dma_wait3A_319 = tpu.memref_slice %run_scoped3A_23[%rem3A_313] : memref<2x!tpu.dma_semaphore, #tpu.memory_space<semaphore_mem>> -> memref<1x!tpu.dma_semaphore, #tpu.memory_space<semaphore_mem>>
          %dma_wait3A_320 = tpu.memref_squeeze %dma_wait3A_319 : memref<1x!tpu.dma_semaphore, #tpu.memory_space<semaphore_mem>> -> memref<!tpu.dma_semaphore, #tpu.memory_space<semaphore_mem>>
          %dma_wait3A_321 = arith.constant 0 : i32
          %dma_wait3A_322 = arith.constant 0 : i32
          %dma_wait3A_323 = tpu.memref_slice %run_scoped3A_22[%rem3A_313, %dma_wait3A_321, %dma_wait3A_322] : memref<2x32x512xi32, #tpu.memory_space<vmem>> -> memref<1x32x512xi32, #tpu.memory_space<vmem>>
          %dma_wait3A_324 = tpu.memref_squeeze %dma_wait3A_323 : memref<1x32x512xi32, #tpu.memory_space<vmem>> -> memref<32x512xi32, #tpu.memory_space<vmem>>
          %dma_wait3A_325 = arith.constant 0 : i32
          %dma_wait3A_326 = tpu.memref_slice %arg3[%mul3A_311, %dma_wait3A_325] : memref<8192x512xi32, #tpu.memory_space<hbm>> -> memref<32x512xi32, #tpu.memory_space<hbm>>
          tpu.wait_dma2 semaphore(%dma_wait3A_320 : memref<!tpu.dma_semaphore, #tpu.memory_space<semaphore_mem>>) src(%dma_wait3A_326 : memref<32x512xi32, #tpu.memory_space<hbm>>) dst(%dma_wait3A_324 : memref<32x512xi32, #tpu.memory_space<vmem>>)
          "tpu.trace_stop"() : () -> ()
        } else {
        }
        %rem3A_227 = arith.constant 2 : i32
        %rem3A_228 = arith.remui %scan3A_144, %rem3A_227 : i32
        %rem3A_229 = arith.constant 2 : i32
        %rem3A_230 = arith.remui %scan3A_146, %rem3A_229 : i32
        "tpu.trace_start"() <{level = 10 : i32, message = "ep_run_kernel"}> : () -> ()
        %scan3A_231 = arith.constant 0 : i32
        %scan3A_232 = arith.constant 32 : i32
        %scan3A_233 = arith.addi %scan3A_231, %scan3A_232 : i32
        %scan3A_234 = arith.constant 1 : i32
        scf.for %scan3A_310 = %scan3A_231 to %scan3A_233 step %scan3A_234  : i32 {
          %mul3A_311 = arith.constant 1 : i32
          %mul3A_312 = arith.muli %scan3A_310, %mul3A_311 : i32
          %add3A_313 = arith.constant 0 : i32
          %add3A_314 = arith.addi %add3A_313, %mul3A_312 : i32
          %parallel_loop3A_315 = arith.constant 0 : i32
          %parallel_loop3A_316 = arith.constant 512 : i32
          %parallel_loop3A_317 = arith.constant 16 : i32
          scf.for %parallel_loop3A_318 = %parallel_loop3A_315 to %parallel_loop3A_316 step %parallel_loop3A_317  : i32 {
            %parallel_loop3A_319 = arith.constant 0 : i32
            %parallel_loop3A_320 = arith.constant 0 : i32
            %parallel_loop3A_321 = tpu.memref_slice %run_scoped3A[%rem3A_228, %parallel_loop3A_319, %parallel_loop3A_320] : memref<2x32x512xf32, #tpu.memory_space<vmem>> -> memref<1x32x512xf32, #tpu.memory_space<vmem>>
            %parallel_loop3A_322 = tpu.memref_squeeze %parallel_loop3A_321 : memref<1x32x512xf32, #tpu.memory_space<vmem>> -> memref<32x512xf32, #tpu.memory_space<vmem>>
            %parallel_loop3A_323 = arith.index_cast %add3A_314 : i32 to index
            %parallel_loop3A_324 = arith.index_cast %parallel_loop3A_318 : i32 to index
            %parallel_loop3A_325 = tpu.vector_load %parallel_loop3A_322[%parallel_loop3A_323, %parallel_loop3A_324] {strides = array<i32>} : memref<32x512xf32, #tpu.memory_space<vmem>>, vector<16xf32>,
            %parallel_loop3A_326 = arith.constant 0 : i32
            %parallel_loop3A_327 = arith.constant 0 : i32
            %parallel_loop3A_328 = tpu.memref_slice %run_scoped3A_22[%rem3A_230, %parallel_loop3A_326, %parallel_loop3A_327] : memref<2x32x512xi32, #tpu.memory_space<vmem>> -> memref<1x32x512xi32, #tpu.memory_space<vmem>>
            %parallel_loop3A_329 = tpu.memref_squeeze %parallel_loop3A_328 : memref<1x32x512xi32, #tpu.memory_space<vmem>> -> memref<32x512xi32, #tpu.memory_space<vmem>>
            %parallel_loop3A_330 = arith.index_cast %add3A_314 : i32 to index
            %parallel_loop3A_331 = arith.index_cast %parallel_loop3A_318 : i32 to index
            %parallel_loop3A_332 = tpu.vector_load %parallel_loop3A_329[%parallel_loop3A_330, %parallel_loop3A_331] {strides = array<i32>} : memref<32x512xi32, #tpu.memory_space<vmem>>, vector<16xi32>,
            %parallel_loop3A_333 = arith.constant 6.400000e+01 : f32
            %parallel_loop3A_334 = vector.broadcast %parallel_loop3A_333 : f32 to vector<16xf32>
            %parallel_loop3A_335 = arith.mulf %parallel_loop3A_325, %parallel_loop3A_334 : vector<16xf32>
            %parallel_loop3A_336 = arith.constant 5.120000e+02 : f32
            %parallel_loop3A_337 = vector.broadcast %parallel_loop3A_336 : f32 to vector<16xf32>
            %parallel_loop3A_338 = arith.subf %parallel_loop3A_337, %parallel_loop3A_335 : vector<16xf32>
            %parallel_loop3A_339 = arith.constant 0.000000e+00 : f32
            %parallel_loop3A_340 = vector.broadcast %parallel_loop3A_339 : f32 to vector<16xf32>
            %parallel_loop3A_341 = arith.maximumf %parallel_loop3A_338, %parallel_loop3A_340 : vector<16xf32>
            %parallel_loop3A_342 = arith.constant 1.023000e+03 : f32
            %parallel_loop3A_343 = vector.broadcast %parallel_loop3A_342 : f32 to vector<16xf32>
            %parallel_loop3A_344 = arith.minimumf %parallel_loop3A_341, %parallel_loop3A_343 : vector<16xf32>
            %parallel_loop3A_345 = arith.fptosi %parallel_loop3A_344 : vector<16xf32> to vector<16xi32>
            %parallel_loop3A_346 = arith.constant 10 : i32
            %parallel_loop3A_347 = vector.broadcast %parallel_loop3A_346 : i32 to vector<16xi32>
            %parallel_loop3A_348 = arith.shli %parallel_loop3A_332, %parallel_loop3A_347 : vector<16xi32>
            %parallel_loop3A_349 = arith.addi %parallel_loop3A_345, %parallel_loop3A_348 : vector<16xi32>
            %parallel_loop3A_350 = arith.addi %parallel_loop3A_349, %mul3A_6 : vector<16xi32>
            tpu.vector_store_idx %arg5[%parallel_loop3A_350], %broadcast_in_dim3A_8 {add = true} : memref<32784xf32, #tpu.memory_space<vmem>>[vector<16xi32>], vector<16xf32>,
          } {sc.loop_unroll_factor = 8 : i64, sc.parallel_access}
        }
        %scan3A_235 = arith.constant 32 : i32
        "tpu.trace_stop"() : () -> ()
        %ne3A_236 = arith.cmpi ne, %add3A_152, %add3A_170 : i32
        %or3A_237 = arith.constant false
        %or3A_238 = arith.ori %or3A_237, %ne3A_236 : i1
        %or3A_239 = arith.constant false
        %or3A_240 = arith.ori %or3A_238, %or3A_239 : i1
        %or3A_241 = arith.ori %or3A_240, %eq3A_151 : i1
        %convert_element_type3A_242 = arith.extui %or3A_241 : i1 to i32
        %cond3A_243 = arith.constant 0 : i32
        %cond3A_244 = arith.cmpi ne, %convert_element_type3A_242, %cond3A_243 : i32
        scf.if %cond3A_244 {
        } else {
        }
        %and3A_245 = arith.constant false
        %and3A_246 = arith.andi %or3A_241, %and3A_245 : i1
        %ne3A_247 = arith.cmpi ne, %add3A_152, %add3A_170 : i32
        %or3A_248 = arith.constant false
        %or3A_249 = arith.ori %or3A_248, %ne3A_247 : i1
        %or3A_250 = arith.constant false
        %or3A_251 = arith.ori %or3A_249, %or3A_250 : i1
        %or3A_252 = arith.ori %or3A_251, %eq3A_151 : i1
        %convert_element_type3A_253 = arith.extui %or3A_252 : i1 to i32
        %cond3A_254 = arith.constant 0 : i32
        %cond3A_255 = arith.cmpi ne, %convert_element_type3A_253, %cond3A_254 : i32
        scf.if %cond3A_255 {
        } else {
        }
        %and3A_256 = arith.constant false
        %and3A_257 = arith.andi %or3A_252, %and3A_256 : i1
        %ne3A_258 = arith.cmpi ne, %add3A_152, %add3A_161 : i32
        %or3A_259 = arith.constant false
        %or3A_260 = arith.ori %or3A_259, %ne3A_258 : i1
        %or3A_261 = arith.constant false
        %or3A_262 = arith.ori %or3A_260, %or3A_261 : i1
        %not3A_263 = arith.constant true
        %not3A_264 = arith.xori %eq3A_149, %not3A_263 : i1
        %and3A_265 = arith.andi %or3A_262, %not3A_264 : i1
        %convert_element_type3A_266 = arith.extui %and3A_265 : i1 to i32
        %cond3A_267 = arith.constant 0 : i32
        %cond3A_268 = arith.cmpi ne, %convert_element_type3A_266, %cond3A_267 : i32
        scf.if %cond3A_268 {
        } else {
        }
        %and3A_269 = arith.constant false
        %and3A_270 = arith.andi %and3A_265, %and3A_269 : i1
        %ne3A_271 = arith.cmpi ne, %add3A_152, %add3A_161 : i32
        %or3A_272 = arith.constant false
        %or3A_273 = arith.ori %or3A_272, %ne3A_271 : i1
        %or3A_274 = arith.constant false
        %or3A_275 = arith.ori %or3A_273, %or3A_274 : i1
        %not3A_276 = arith.constant true
        %not3A_277 = arith.xori %eq3A_149, %not3A_276 : i1
        %and3A_278 = arith.andi %or3A_275, %not3A_277 : i1
        %convert_element_type3A_279 = arith.extui %and3A_278 : i1 to i32
        %cond3A_280 = arith.constant 0 : i32
        %cond3A_281 = arith.cmpi ne, %convert_element_type3A_279, %cond3A_280 : i32
        scf.if %cond3A_281 {
        } else {
        }
        %and3A_282 = arith.constant false
        %and3A_283 = arith.andi %and3A_278, %and3A_282 : i1
        %ne3A_284 = arith.cmpi ne, %add3A_152, %add3A_170 : i32
        %or3A_285 = arith.constant false
        %or3A_286 = arith.ori %or3A_285, %ne3A_284 : i1
        %or3A_287 = arith.constant false
        %or3A_288 = arith.ori %or3A_286, %or3A_287 : i1
        %or3A_289 = arith.ori %or3A_288, %eq3A_151 : i1
        %add3A_290 = arith.constant 1 : i32
        %add3A_291 = arith.addi %scan3A_144, %add3A_290 : i32
        %select_n3A_292 = arith.select %or3A_289, %add3A_291, %scan3A_144 : i32
        %ne3A_293 = arith.cmpi ne, %add3A_152, %add3A_170 : i32
        %or3A_294 = arith.constant false
        %or3A_295 = arith.ori %or3A_294, %ne3A_293 : i1
        %or3A_296 = arith.constant false
        %or3A_297 = arith.ori %or3A_295, %or3A_296 : i1
        %or3A_298 = arith.ori %or3A_297, %eq3A_151 : i1
        %add3A_299 = arith.constant 1 : i32
        %add3A_300 = arith.addi %scan3A_146, %add3A_299 : i32
        %select_n3A_301 = arith.select %or3A_298, %add3A_300, %scan3A_146 : i32
        %add3A_302 = arith.constant 1 : i32
        %add3A_303 = arith.addi %scan3A_147, %add3A_302 : i32
        %select_n3A_304 = arith.constant true
        %select_n3A_305 = arith.select %select_n3A_304, %add3A_303, %scan3A_147 : i32
        %eq3A_306 = arith.constant 8 : i32
        %eq3A_307 = arith.cmpi eq, %select_n3A_305, %eq3A_306 : i32
        %select_n3A_308 = arith.constant 0 : i32
        %select_n3A_309 = arith.select %eq3A_307, %select_n3A_308, %select_n3A_305 : i32
        scf.yield %select_n3A_190, %select_n3A_292, %select_n3A_208, %select_n3A_301, %select_n3A_309 : i32, i32, i32, i32, i32
      }
      %scan3A_106 = arith.constant 8 : i32
      %sub3A = arith.constant 1 : i32
      %sub3A_107 = arith.subi %scan3A_105#4, %sub3A : i32
      %select_n3A_108 = arith.constant true
      %select_n3A_109 = arith.select %select_n3A_108, %sub3A_107, %scan3A_105#4 : i32
      %eq3A_110 = arith.constant -1 : i32
      %eq3A_111 = arith.cmpi eq, %select_n3A_109, %eq3A_110 : i32
      %select_n3A_112 = arith.constant 7 : i32
      %select_n3A_113 = arith.select %eq3A_111, %select_n3A_112, %select_n3A_109 : i32
      %add3A_114 = arith.addi %select_n3A_113, %mul3A_17 : i32
      %sub3A_115 = arith.constant 1 : i32
      %sub3A_116 = arith.subi %select_n3A_113, %sub3A_115 : i32
      %select_n3A_117 = arith.constant true
      %select_n3A_118 = arith.select %select_n3A_117, %sub3A_116, %select_n3A_113 : i32
      %eq3A_119 = arith.constant -1 : i32
      %eq3A_120 = arith.cmpi eq, %select_n3A_118, %eq3A_119 : i32
      %select_n3A_121 = arith.constant 7 : i32
      %select_n3A_122 = arith.select %eq3A_120, %select_n3A_121, %select_n3A_118 : i32
      %add3A_123 = arith.addi %select_n3A_122, %mul3A_17 : i32
      %add3A_124 = arith.constant 1 : i32
      %add3A_125 = arith.addi %select_n3A_113, %add3A_124 : i32
      %select_n3A_126 = arith.constant true
      %select_n3A_127 = arith.select %select_n3A_126, %add3A_125, %select_n3A_113 : i32
      %eq3A_128 = arith.constant 8 : i32
      %eq3A_129 = arith.cmpi eq, %select_n3A_127, %eq3A_128 : i32
      %select_n3A_130 = arith.constant 0 : i32
      %select_n3A_131 = arith.select %eq3A_129, %select_n3A_130, %select_n3A_127 : i32
      %add3A_132 = arith.addi %select_n3A_131, %mul3A_17 : i32
      %add3A_133 = arith.constant 1 : i32
      %add3A_134 = arith.addi %select_n3A_131, %add3A_133 : i32
      %select_n3A_135 = arith.constant true
      %select_n3A_136 = arith.select %select_n3A_135, %add3A_134, %select_n3A_131 : i32
      %eq3A_137 = arith.constant 8 : i32
      %eq3A_138 = arith.cmpi eq, %select_n3A_136, %eq3A_137 : i32
      %select_n3A_139 = arith.constant 0 : i32
      %select_n3A_140 = arith.select %eq3A_138, %select_n3A_139, %select_n3A_136 : i32
      %add3A_141 = arith.addi %select_n3A_140, %mul3A_17 : i32
      tpu.yield
    }) : () -> ()
    %parallel_loop3A_18 = arith.constant 0 : i32
    %parallel_loop3A_19 = arith.constant 2048 : i32
    %parallel_loop3A_20 = arith.constant 16 : i32
    scf.for %parallel_loop3A_21 = %parallel_loop3A_18 to %parallel_loop3A_19 step %parallel_loop3A_20  : i32 {
      %parallel_loop3A_22 = arith.index_cast %parallel_loop3A_21 : i32 to index
      %parallel_loop3A_23 = tpu.vector_load %arg5[%parallel_loop3A_22] {strides = array<i32>} : memref<32784xf32, #tpu.memory_space<vmem>>, vector<16xf32>,
      %parallel_loop3A_24 = arith.constant 2049 : i32
      %parallel_loop3A_25 = arith.addi %parallel_loop3A_24, %parallel_loop3A_21 : i32
      %parallel_loop3A_26 = arith.index_cast %parallel_loop3A_25 : i32 to index
      %parallel_loop3A_27 = tpu.vector_load %arg5[%parallel_loop3A_26] {strides = array<i32>} : memref<32784xf32, #tpu.memory_space<vmem>>, vector<16xf32>,
      %parallel_loop3A_28 = arith.addf %parallel_loop3A_23, %parallel_loop3A_27 : vector<16xf32>
      %parallel_loop3A_29 = arith.constant 4098 : i32
      %parallel_loop3A_30 = arith.addi %parallel_loop3A_29, %parallel_loop3A_21 : i32
      %parallel_loop3A_31 = arith.index_cast %parallel_loop3A_30 : i32 to index
      %parallel_loop3A_32 = tpu.vector_load %arg5[%parallel_loop3A_31] {strides = array<i32>} : memref<32784xf32, #tpu.memory_space<vmem>>, vector<16xf32>,
      %parallel_loop3A_33 = arith.addf %parallel_loop3A_28, %parallel_loop3A_32 : vector<16xf32>
      %parallel_loop3A_34 = arith.constant 6147 : i32
      %parallel_loop3A_35 = arith.addi %parallel_loop3A_34, %parallel_loop3A_21 : i32
      %parallel_loop3A_36 = arith.index_cast %parallel_loop3A_35 : i32 to index
      %parallel_loop3A_37 = tpu.vector_load %arg5[%parallel_loop3A_36] {strides = array<i32>} : memref<32784xf32, #tpu.memory_space<vmem>>, vector<16xf32>,
      %parallel_loop3A_38 = arith.addf %parallel_loop3A_33, %parallel_loop3A_37 : vector<16xf32>
      %parallel_loop3A_39 = arith.constant 8196 : i32
      %parallel_loop3A_40 = arith.addi %parallel_loop3A_39, %parallel_loop3A_21 : i32
      %parallel_loop3A_41 = arith.index_cast %parallel_loop3A_40 : i32 to index
      %parallel_loop3A_42 = tpu.vector_load %arg5[%parallel_loop3A_41] {strides = array<i32>} : memref<32784xf32, #tpu.memory_space<vmem>>, vector<16xf32>,
      %parallel_loop3A_43 = arith.addf %parallel_loop3A_38, %parallel_loop3A_42 : vector<16xf32>
      %parallel_loop3A_44 = arith.constant 10245 : i32
      %parallel_loop3A_45 = arith.addi %parallel_loop3A_44, %parallel_loop3A_21 : i32
      %parallel_loop3A_46 = arith.index_cast %parallel_loop3A_45 : i32 to index
      %parallel_loop3A_47 = tpu.vector_load %arg5[%parallel_loop3A_46] {strides = array<i32>} : memref<32784xf32, #tpu.memory_space<vmem>>, vector<16xf32>,
      %parallel_loop3A_48 = arith.addf %parallel_loop3A_43, %parallel_loop3A_47 : vector<16xf32>
      %parallel_loop3A_49 = arith.constant 12294 : i32
      %parallel_loop3A_50 = arith.addi %parallel_loop3A_49, %parallel_loop3A_21 : i32
      %parallel_loop3A_51 = arith.index_cast %parallel_loop3A_50 : i32 to index
      %parallel_loop3A_52 = tpu.vector_load %arg5[%parallel_loop3A_51] {strides = array<i32>} : memref<32784xf32, #tpu.memory_space<vmem>>, vector<16xf32>,
      %parallel_loop3A_53 = arith.addf %parallel_loop3A_48, %parallel_loop3A_52 : vector<16xf32>
      %parallel_loop3A_54 = arith.constant 14343 : i32
      %parallel_loop3A_55 = arith.addi %parallel_loop3A_54, %parallel_loop3A_21 : i32
      %parallel_loop3A_56 = arith.index_cast %parallel_loop3A_55 : i32 to index
      %parallel_loop3A_57 = tpu.vector_load %arg5[%parallel_loop3A_56] {strides = array<i32>} : memref<32784xf32, #tpu.memory_space<vmem>>, vector<16xf32>,
      %parallel_loop3A_58 = arith.addf %parallel_loop3A_53, %parallel_loop3A_57 : vector<16xf32>
      %parallel_loop3A_59 = arith.constant 16392 : i32
      %parallel_loop3A_60 = arith.addi %parallel_loop3A_59, %parallel_loop3A_21 : i32
      %parallel_loop3A_61 = arith.index_cast %parallel_loop3A_60 : i32 to index
      %parallel_loop3A_62 = tpu.vector_load %arg5[%parallel_loop3A_61] {strides = array<i32>} : memref<32784xf32, #tpu.memory_space<vmem>>, vector<16xf32>,
      %parallel_loop3A_63 = arith.addf %parallel_loop3A_58, %parallel_loop3A_62 : vector<16xf32>
      %parallel_loop3A_64 = arith.constant 18441 : i32
      %parallel_loop3A_65 = arith.addi %parallel_loop3A_64, %parallel_loop3A_21 : i32
      %parallel_loop3A_66 = arith.index_cast %parallel_loop3A_65 : i32 to index
      %parallel_loop3A_67 = tpu.vector_load %arg5[%parallel_loop3A_66] {strides = array<i32>} : memref<32784xf32, #tpu.memory_space<vmem>>, vector<16xf32>,
      %parallel_loop3A_68 = arith.addf %parallel_loop3A_63, %parallel_loop3A_67 : vector<16xf32>
      %parallel_loop3A_69 = arith.constant 20490 : i32
      %parallel_loop3A_70 = arith.addi %parallel_loop3A_69, %parallel_loop3A_21 : i32
      %parallel_loop3A_71 = arith.index_cast %parallel_loop3A_70 : i32 to index
      %parallel_loop3A_72 = tpu.vector_load %arg5[%parallel_loop3A_71] {strides = array<i32>} : memref<32784xf32, #tpu.memory_space<vmem>>, vector<16xf32>,
      %parallel_loop3A_73 = arith.addf %parallel_loop3A_68, %parallel_loop3A_72 : vector<16xf32>
      %parallel_loop3A_74 = arith.constant 22539 : i32
      %parallel_loop3A_75 = arith.addi %parallel_loop3A_74, %parallel_loop3A_21 : i32
      %parallel_loop3A_76 = arith.index_cast %parallel_loop3A_75 : i32 to index
      %parallel_loop3A_77 = tpu.vector_load %arg5[%parallel_loop3A_76] {strides = array<i32>} : memref<32784xf32, #tpu.memory_space<vmem>>, vector<16xf32>,
      %parallel_loop3A_78 = arith.addf %parallel_loop3A_73, %parallel_loop3A_77 : vector<16xf32>
      %parallel_loop3A_79 = arith.constant 24588 : i32
      %parallel_loop3A_80 = arith.addi %parallel_loop3A_79, %parallel_loop3A_21 : i32
      %parallel_loop3A_81 = arith.index_cast %parallel_loop3A_80 : i32 to index
      %parallel_loop3A_82 = tpu.vector_load %arg5[%parallel_loop3A_81] {strides = array<i32>} : memref<32784xf32, #tpu.memory_space<vmem>>, vector<16xf32>,
      %parallel_loop3A_83 = arith.addf %parallel_loop3A_78, %parallel_loop3A_82 : vector<16xf32>
      %parallel_loop3A_84 = arith.constant 26637 : i32
      %parallel_loop3A_85 = arith.addi %parallel_loop3A_84, %parallel_loop3A_21 : i32
      %parallel_loop3A_86 = arith.index_cast %parallel_loop3A_85 : i32 to index
      %parallel_loop3A_87 = tpu.vector_load %arg5[%parallel_loop3A_86] {strides = array<i32>} : memref<32784xf32, #tpu.memory_space<vmem>>, vector<16xf32>,
      %parallel_loop3A_88 = arith.addf %parallel_loop3A_83, %parallel_loop3A_87 : vector<16xf32>
      %parallel_loop3A_89 = arith.constant 28686 : i32
      %parallel_loop3A_90 = arith.addi %parallel_loop3A_89, %parallel_loop3A_21 : i32
      %parallel_loop3A_91 = arith.index_cast %parallel_loop3A_90 : i32 to index
      %parallel_loop3A_92 = tpu.vector_load %arg5[%parallel_loop3A_91] {strides = array<i32>} : memref<32784xf32, #tpu.memory_space<vmem>>, vector<16xf32>,
      %parallel_loop3A_93 = arith.addf %parallel_loop3A_88, %parallel_loop3A_92 : vector<16xf32>
      %parallel_loop3A_94 = arith.constant 30735 : i32
      %parallel_loop3A_95 = arith.addi %parallel_loop3A_94, %parallel_loop3A_21 : i32
      %parallel_loop3A_96 = arith.index_cast %parallel_loop3A_95 : i32 to index
      %parallel_loop3A_97 = tpu.vector_load %arg5[%parallel_loop3A_96] {strides = array<i32>} : memref<32784xf32, #tpu.memory_space<vmem>>, vector<16xf32>,
      %parallel_loop3A_98 = arith.addf %parallel_loop3A_93, %parallel_loop3A_97 : vector<16xf32>
      %parallel_loop3A_99 = arith.index_cast %parallel_loop3A_21 : i32 to index
      %parallel_loop3A_100 = tpu.vector_load %arg6[%parallel_loop3A_99] {strides = array<i32>} : memref<2048xf32, #tpu.memory_space<vmem>>, vector<16xf32>,
      tpu.vector_store %arg6[%parallel_loop3A_99], %parallel_loop3A_98 {strides = array<i32>} : memref<2048xf32, #tpu.memory_space<vmem>>, vector<16xf32>,
    } {sc.loop_unroll_factor = 2 : i64, sc.parallel_access}
    "tpu.region"() ({
      %run_scoped3A = tpu.sem_alloc : memref<!tpu.dma_semaphore, #tpu.memory_space<semaphore_mem>>
      %dma_start3A = arith.constant 0 : i32
      %dma_start3A_21 = tpu.memref_slice %arg4[%add3A, %dma_start3A] : memref<32x2048xf32, #tpu.memory_space<hbm>> -> memref<1x2048xf32, #tpu.memory_space<hbm>>
      %dma_start3A_22 = tpu.memref_squeeze %dma_start3A_21 : memref<1x2048xf32, #tpu.memory_space<hbm>> -> memref<2048xf32, #tpu.memory_space<hbm>>
      %dma_start3A_23 = arith.constant 0 : i32
      %dma_start3A_24 = tpu.memref_slice %arg4[%add3A, %dma_start3A_23] : memref<32x2048xf32, #tpu.memory_space<hbm>> -> memref<1x2048xf32, #tpu.memory_space<hbm>>
      %dma_start3A_25 = tpu.memref_squeeze %dma_start3A_24 : memref<1x2048xf32, #tpu.memory_space<hbm>> -> memref<2048xf32, #tpu.memory_space<hbm>>
      tpu.enqueue_dma source(%arg6 : memref<2048xf32, #tpu.memory_space<vmem>>) target(%dma_start3A_25 : memref<2048xf32, #tpu.memory_space<hbm>>) target_semaphore(%run_scoped3A : memref<!tpu.dma_semaphore, #tpu.memory_space<semaphore_mem>>)
      %dma_wait3A = arith.constant 0 : i32
      %dma_wait3A_26 = tpu.memref_slice %arg4[%add3A, %dma_wait3A] : memref<32x2048xf32, #tpu.memory_space<hbm>> -> memref<1x2048xf32, #tpu.memory_space<hbm>>
      %dma_wait3A_27 = tpu.memref_squeeze %dma_wait3A_26 : memref<1x2048xf32, #tpu.memory_space<hbm>> -> memref<2048xf32, #tpu.memory_space<hbm>>
      %dma_wait3A_28 = arith.constant 0 : i32
      %dma_wait3A_29 = tpu.memref_slice %arg4[%add3A, %dma_wait3A_28] : memref<32x2048xf32, #tpu.memory_space<hbm>> -> memref<1x2048xf32, #tpu.memory_space<hbm>>
      %dma_wait3A_30 = tpu.memref_squeeze %dma_wait3A_29 : memref<1x2048xf32, #tpu.memory_space<hbm>> -> memref<2048xf32, #tpu.memory_space<hbm>>
      tpu.wait_dma2 semaphore(%run_scoped3A : memref<!tpu.dma_semaphore, #tpu.memory_space<semaphore_mem>>) src(%arg6 : memref<2048xf32, #tpu.memory_space<vmem>>) dst(%dma_wait3A_30 : memref<2048xf32, #tpu.memory_space<hbm>>)
      tpu.yield
    }) : () -> ()
    return
  }
}

module attributes {stable_mosaic.version = 14 : i64} {
  func.func @body(%arg0: memref<32x2048xf32, #tpu.memory_space<vmem>>, %arg1: memref<1x1xf32, #tpu.memory_space<vmem>>) attributes {dimension_semantics = [], scalar_prefetch = 0 : i64, scratch_operands = 0 : i64, tpu.core_type = #tpu.core_type<tc>} {
    %get3A = arith.constant 0 : index
    %get3A_0 = arith.constant 0 : index
    %get3A_1 = vector.load %arg0[%get3A, %get3A_0] : memref<32x2048xf32, #tpu.memory_space<vmem>>, vector<32x2048xf32>
    %reduce_sum3A = arith.constant dense<0.000000e+00> : vector<2048xf32>
    %reduce_sum3A_2 = vector.multi_reduction <add>, %get3A_1, %reduce_sum3A [0] : vector<32x2048xf32> to vector<2048xf32>
    %broadcast_in_dim3A = vector.shape_cast %reduce_sum3A_2 : vector<2048xf32> to vector<1x2048xf32>
    %slice3A = vector.extract_strided_slice %broadcast_in_dim3A {offsets = [0, 0], sizes = [1, 1024], strides = [1, 1]} : vector<1x2048xf32> to vector<1x1024xf32>
    %slice3A_3 = vector.extract_strided_slice %broadcast_in_dim3A {offsets = [0, 1024], sizes = [1, 1024], strides = [1, 1]} : vector<1x2048xf32> to vector<1x1024xf32>
    %iota3A = tpu.iota {dimensions = array<i32: 1>} : vector<1x1024xi32>
    %convert_element_type3A = arith.sitofp %iota3A : vector<1x1024xi32> to vector<1x1024xf32>
    %add3A = arith.constant 5.000000e-01 : f32
    %add3A_4 = vector.broadcast %add3A : f32 to vector<1x1024xf32>
    %add3A_5 = arith.addf %convert_element_type3A, %add3A_4 : vector<1x1024xf32>
    %mul3A = arith.constant 1.562500e-02 : f32
    %mul3A_6 = vector.broadcast %mul3A : f32 to vector<1x1024xf32>
    %mul3A_7 = arith.mulf %add3A_5, %mul3A_6 : vector<1x1024xf32>
    %sub3A = arith.constant 8.000000e+00 : f32
    %sub3A_8 = vector.broadcast %sub3A : f32 to vector<1x1024xf32>
    %sub3A_9 = arith.subf %sub3A_8, %mul3A_7 : vector<1x1024xf32>
    %neg3A = arith.constant 0.000000e+00 : f32
    %neg3A_10 = vector.broadcast %neg3A : f32 to vector<1x1024xf32>
    %neg3A_11 = arith.subf %neg3A_10, %sub3A_9 : vector<1x1024xf32>
    %exp3A = math.exp %neg3A_11 : vector<1x1024xf32>
    %add3A_12 = arith.constant 1.000000e+00 : f32
    %add3A_13 = vector.broadcast %add3A_12 : f32 to vector<1x1024xf32>
    %add3A_14 = arith.addf %add3A_13, %exp3A : vector<1x1024xf32>
    %div3A = arith.constant 1.000000e+00 : f32
    %div3A_15 = vector.broadcast %div3A : f32 to vector<1x1024xf32>
    %div3A_16 = arith.divf %div3A_15, %add3A_14 : vector<1x1024xf32>
    %reduce_sum3A_17 = vector.shape_cast %slice3A_3 : vector<1x1024xf32> to vector<1x1x1024xf32>
    %reduce_sum3A_18 = arith.constant dense<0.000000e+00> : vector<1xf32>
    %reduce_sum3A_19 = vector.multi_reduction <add>, %reduce_sum3A_17, %reduce_sum3A_18 [1, 2] : vector<1x1x1024xf32> to vector<1xf32>
    %reduce_sum3A_20 = vector.shape_cast %reduce_sum3A_19 : vector<1xf32> to vector<1x1x1xf32>
    %reduce_sum3A_21 = vector.extract %reduce_sum3A_20[0, 0, 0] : f32 from vector<1x1x1xf32>
    %mul3A_22 = arith.mulf %slice3A_3, %div3A_16 : vector<1x1024xf32>
    %reduce_sum3A_23 = vector.shape_cast %mul3A_22 : vector<1x1024xf32> to vector<1x1x1024xf32>
    %reduce_sum3A_24 = arith.constant dense<0.000000e+00> : vector<1xf32>
    %reduce_sum3A_25 = vector.multi_reduction <add>, %reduce_sum3A_23, %reduce_sum3A_24 [1, 2] : vector<1x1x1024xf32> to vector<1xf32>
    %reduce_sum3A_26 = vector.shape_cast %reduce_sum3A_25 : vector<1xf32> to vector<1x1x1xf32>
    %reduce_sum3A_27 = vector.extract %reduce_sum3A_26[0, 0, 0] : f32 from vector<1x1x1xf32>
    %broadcast_in_dim3A_28 = arith.constant 0.000000e+00 : f32
    %broadcast_in_dim3A_29 = vector.broadcast %broadcast_in_dim3A_28 : f32 to vector<1x1xf32>
    %slice3A_30 = vector.extract_strided_slice %slice3A {offsets = [0, 0], sizes = [1, 1023], strides = [1, 1]} : vector<1x1024xf32> to vector<1x1023xf32>
    %concatenate3A = tpu.concatenate %broadcast_in_dim3A_29, %slice3A_30 in 1 : vector<1x1xf32>, vector<1x1023xf32> -> vector<1x1024xf32>
    %add3A_31 = arith.addf %slice3A, %concatenate3A : vector<1x1024xf32>
    %broadcast_in_dim3A_32 = arith.constant 0.000000e+00 : f32
    %broadcast_in_dim3A_33 = vector.broadcast %broadcast_in_dim3A_32 : f32 to vector<1x2xf32>
    %slice3A_34 = vector.extract_strided_slice %add3A_31 {offsets = [0, 0], sizes = [1, 1022], strides = [1, 1]} : vector<1x1024xf32> to vector<1x1022xf32>
    %concatenate3A_35 = tpu.concatenate %broadcast_in_dim3A_33, %slice3A_34 in 1 : vector<1x2xf32>, vector<1x1022xf32> -> vector<1x1024xf32>
    %add3A_36 = arith.addf %add3A_31, %concatenate3A_35 : vector<1x1024xf32>
    %broadcast_in_dim3A_37 = arith.constant 0.000000e+00 : f32
    %broadcast_in_dim3A_38 = vector.broadcast %broadcast_in_dim3A_37 : f32 to vector<1x4xf32>
    %slice3A_39 = vector.extract_strided_slice %add3A_36 {offsets = [0, 0], sizes = [1, 1020], strides = [1, 1]} : vector<1x1024xf32> to vector<1x1020xf32>
    %concatenate3A_40 = tpu.concatenate %broadcast_in_dim3A_38, %slice3A_39 in 1 : vector<1x4xf32>, vector<1x1020xf32> -> vector<1x1024xf32>
    %add3A_41 = arith.addf %add3A_36, %concatenate3A_40 : vector<1x1024xf32>
    %broadcast_in_dim3A_42 = arith.constant 0.000000e+00 : f32
    %broadcast_in_dim3A_43 = vector.broadcast %broadcast_in_dim3A_42 : f32 to vector<1x8xf32>
    %slice3A_44 = vector.extract_strided_slice %add3A_41 {offsets = [0, 0], sizes = [1, 1016], strides = [1, 1]} : vector<1x1024xf32> to vector<1x1016xf32>
    %concatenate3A_45 = tpu.concatenate %broadcast_in_dim3A_43, %slice3A_44 in 1 : vector<1x8xf32>, vector<1x1016xf32> -> vector<1x1024xf32>
    %add3A_46 = arith.addf %add3A_41, %concatenate3A_45 : vector<1x1024xf32>
    %broadcast_in_dim3A_47 = arith.constant 0.000000e+00 : f32
    %broadcast_in_dim3A_48 = vector.broadcast %broadcast_in_dim3A_47 : f32 to vector<1x16xf32>
    %slice3A_49 = vector.extract_strided_slice %add3A_46 {offsets = [0, 0], sizes = [1, 1008], strides = [1, 1]} : vector<1x1024xf32> to vector<1x1008xf32>
    %concatenate3A_50 = tpu.concatenate %broadcast_in_dim3A_48, %slice3A_49 in 1 : vector<1x16xf32>, vector<1x1008xf32> -> vector<1x1024xf32>
    %add3A_51 = arith.addf %add3A_46, %concatenate3A_50 : vector<1x1024xf32>
    %broadcast_in_dim3A_52 = arith.constant 0.000000e+00 : f32
    %broadcast_in_dim3A_53 = vector.broadcast %broadcast_in_dim3A_52 : f32 to vector<1x32xf32>
    %slice3A_54 = vector.extract_strided_slice %add3A_51 {offsets = [0, 0], sizes = [1, 992], strides = [1, 1]} : vector<1x1024xf32> to vector<1x992xf32>
    %concatenate3A_55 = tpu.concatenate %broadcast_in_dim3A_53, %slice3A_54 in 1 : vector<1x32xf32>, vector<1x992xf32> -> vector<1x1024xf32>
    %add3A_56 = arith.addf %add3A_51, %concatenate3A_55 : vector<1x1024xf32>
    %broadcast_in_dim3A_57 = arith.constant 0.000000e+00 : f32
    %broadcast_in_dim3A_58 = vector.broadcast %broadcast_in_dim3A_57 : f32 to vector<1x64xf32>
    %slice3A_59 = vector.extract_strided_slice %add3A_56 {offsets = [0, 0], sizes = [1, 960], strides = [1, 1]} : vector<1x1024xf32> to vector<1x960xf32>
    %concatenate3A_60 = tpu.concatenate %broadcast_in_dim3A_58, %slice3A_59 in 1 : vector<1x64xf32>, vector<1x960xf32> -> vector<1x1024xf32>
    %add3A_61 = arith.addf %add3A_56, %concatenate3A_60 : vector<1x1024xf32>
    %broadcast_in_dim3A_62 = arith.constant 0.000000e+00 : f32
    %broadcast_in_dim3A_63 = vector.broadcast %broadcast_in_dim3A_62 : f32 to vector<1x128xf32>
    %slice3A_64 = vector.extract_strided_slice %add3A_61 {offsets = [0, 0], sizes = [1, 896], strides = [1, 1]} : vector<1x1024xf32> to vector<1x896xf32>
    %concatenate3A_65 = tpu.concatenate %broadcast_in_dim3A_63, %slice3A_64 in 1 : vector<1x128xf32>, vector<1x896xf32> -> vector<1x1024xf32>
    %add3A_66 = arith.addf %add3A_61, %concatenate3A_65 : vector<1x1024xf32>
    %broadcast_in_dim3A_67 = arith.constant 0.000000e+00 : f32
    %broadcast_in_dim3A_68 = vector.broadcast %broadcast_in_dim3A_67 : f32 to vector<1x256xf32>
    %slice3A_69 = vector.extract_strided_slice %add3A_66 {offsets = [0, 0], sizes = [1, 768], strides = [1, 1]} : vector<1x1024xf32> to vector<1x768xf32>
    %concatenate3A_70 = tpu.concatenate %broadcast_in_dim3A_68, %slice3A_69 in 1 : vector<1x256xf32>, vector<1x768xf32> -> vector<1x1024xf32>
    %add3A_71 = arith.addf %add3A_66, %concatenate3A_70 : vector<1x1024xf32>
    %broadcast_in_dim3A_72 = arith.constant 0.000000e+00 : f32
    %broadcast_in_dim3A_73 = vector.broadcast %broadcast_in_dim3A_72 : f32 to vector<1x512xf32>
    %slice3A_74 = vector.extract_strided_slice %add3A_71 {offsets = [0, 0], sizes = [1, 512], strides = [1, 1]} : vector<1x1024xf32> to vector<1x512xf32>
    %concatenate3A_75 = tpu.concatenate %broadcast_in_dim3A_73, %slice3A_74 in 1 : vector<1x512xf32>, vector<1x512xf32> -> vector<1x1024xf32>
    %add3A_76 = arith.addf %add3A_71, %concatenate3A_75 : vector<1x1024xf32>
    %sub3A_77 = arith.subf %add3A_76, %slice3A : vector<1x1024xf32>
    %add3A_78 = vector.broadcast %reduce_sum3A_21 : f32 to vector<1x1024xf32>
    %add3A_79 = arith.addf %add3A_78, %sub3A_77 : vector<1x1024xf32>
    %add3A_80 = vector.broadcast %reduce_sum3A_21 : f32 to vector<1x1024xf32>
    %add3A_81 = arith.addf %add3A_80, %sub3A_77 : vector<1x1024xf32>
    %add3A_82 = arith.addf %add3A_81, %slice3A : vector<1x1024xf32>
    %mul3A_83 = arith.mulf %add3A_79, %add3A_82 : vector<1x1024xf32>
    %max3A = arith.constant 1.000000e+00 : f32
    %max3A_84 = vector.broadcast %max3A : f32 to vector<1x1024xf32>
    %max3A_85 = arith.maximumf %mul3A_83, %max3A_84 : vector<1x1024xf32>
    %add3A_86 = arith.constant 1.000000e+00 : f32
    %add3A_87 = vector.broadcast %add3A_86 : f32 to vector<1x1024xf32>
    %add3A_88 = arith.addf %add3A_87, %div3A_16 : vector<1x1024xf32>
    %mul3A_89 = arith.mulf %add3A_88, %slice3A : vector<1x1024xf32>
    %div3A_90 = vector.broadcast %reduce_sum3A_21 : f32 to vector<1x1024xf32>
    %div3A_91 = arith.divf %div3A_90, %max3A_85 : vector<1x1024xf32>
    %mul3A_92 = arith.mulf %mul3A_89, %div3A_91 : vector<1x1024xf32>
    %reduce_sum3A_93 = vector.shape_cast %mul3A_92 : vector<1x1024xf32> to vector<1x1x1024xf32>
    %reduce_sum3A_94 = arith.constant dense<0.000000e+00> : vector<1xf32>
    %reduce_sum3A_95 = vector.multi_reduction <add>, %reduce_sum3A_93, %reduce_sum3A_94 [1, 2] : vector<1x1x1024xf32> to vector<1xf32>
    %reduce_sum3A_96 = vector.shape_cast %reduce_sum3A_95 : vector<1xf32> to vector<1x1x1xf32>
    %reduce_sum3A_97 = vector.extract %reduce_sum3A_96[0, 0, 0] : f32 from vector<1x1x1xf32>
    %sub3A_98 = arith.subf %reduce_sum3A_21, %reduce_sum3A_27 : f32
    %div3A_99 = arith.constant 0x4A800000 : f32
    %div3A_100 = arith.divf %sub3A_98, %div3A_99 : f32
    %add3A_101 = arith.addf %reduce_sum3A_97, %div3A_100 : f32
    %gt3A = arith.constant 0.000000e+00 : f32
    %gt3A_102 = vector.broadcast %gt3A : f32 to vector<1x1024xf32>
    %gt3A_103 = arith.cmpf ogt, %slice3A, %gt3A_102 : vector<1x1024xf32>
    %jit3A = arith.constant 1.024000e+03 : f32
    %broadcast_in_dim3A_104 = vector.broadcast %jit3A : f32 to vector<1x1024xf32>
    %select_n3A = arith.select %gt3A_103, %convert_element_type3A, %broadcast_in_dim3A_104 : vector<1x1024xi1>, vector<1x1024xf32>
    %reduce_min3A = vector.shape_cast %select_n3A : vector<1x1024xf32> to vector<1x1x1024xf32>
    %reduce_min3A_105 = arith.constant dense<0x7F800000> : vector<1xf32>
    %reduce_min3A_106 = vector.multi_reduction <minimumf>, %reduce_min3A, %reduce_min3A_105 [1, 2] : vector<1x1x1024xf32> to vector<1xf32>
    %reduce_min3A_107 = vector.shape_cast %reduce_min3A_106 : vector<1xf32> to vector<1x1x1xf32>
    %reduce_min3A_108 = vector.extract %reduce_min3A_107[0, 0, 0] : f32 from vector<1x1x1xf32>
    %mul3A_109 = arith.constant 1.562500e-02 : f32
    %mul3A_110 = arith.mulf %reduce_min3A_108, %mul3A_109 : f32
    %sub3A_111 = arith.constant 8.000000e+00 : f32
    %sub3A_112 = arith.subf %sub3A_111, %mul3A_110 : f32
    %neg3A_113 = arith.constant 0.000000e+00 : f32
    %neg3A_114 = arith.subf %neg3A_113, %sub3A_112 : f32
    %exp3A_115 = math.exp %neg3A_114 : f32
    %add3A_116 = arith.constant 1.000000e+00 : f32
    %add3A_117 = arith.addf %add3A_116, %exp3A_115 : f32
    %div3A_118 = arith.constant 1.000000e+00 : f32
    %div3A_119 = arith.divf %div3A_118, %add3A_117 : f32
    %add3A_120 = arith.constant 1.000000e+00 : f32
    %add3A_121 = arith.addf %add3A_120, %div3A_119 : f32
    %gt3A_122 = arith.constant 0.000000e+00 : f32
    %gt3A_123 = arith.cmpf ogt, %reduce_sum3A_21, %gt3A_122 : f32
    %select_n3A_124 = arith.select %gt3A_123, %add3A_101, %add3A_121 : f32
    %broadcast_in_dim3A_125 = vector.broadcast %select_n3A_124 : f32 to vector<1x1xf32>
    %swap3A = arith.constant 0 : index
    %swap3A_126 = arith.constant 0 : index
    %swap3A_127 = vector.load %arg1[%swap3A, %swap3A_126] : memref<1x1xf32, #tpu.memory_space<vmem>>, vector<1x1xf32>
    tpu.vector_store %arg1[%swap3A, %swap3A_126], %broadcast_in_dim3A_125 {strides = array<i32>} : memref<1x1xf32, #tpu.memory_space<vmem>>, vector<1x1xf32>,
    return
  }
}

</mosaic_0001>

<sc_bundles>
// kernel: kernel.4.cloned.1.call-start
scs
__scs_entry_jumppad:
0x0: {  	(pc) =	sbr.rel $0x88, $3  }
0x1: {  	(tag) =	ssettag $0x0;
	lr =	simm.s32 $0x1  }
0x2: {  	[smem:$0x3F9F] =	sst lr;
	_ =	strace $0xD0000000  }
0x3: {  	_ = 	snop  }
0x4: {  	_ = 	snop  }
0x5: {  	_ = 	snop  }
0x6: {  	_ = 	snop  }
0x7: {  	_ = 	snop  }
__scs_overlays_trampoline_lowered:
0x8: {  	[smem:$0x3FAE] =	sst s0  }
0x9: {  	[smem:$0x3FAF] =	sst s1  }
0xa: {  	[smem:$0x3FB0] =	sst s2  }
0xb: {  	[smem:$0x3FB1] =	sst s3  }
0xc: {  	[smem:$0x3FB2] =	sst s4  }
0xd: {  	[smem:$0x3FB3] =	sst s5  }
0xe: {  	[smem:$0x3FB4] =	sst s6  }
0xf: {  	[smem:$0x3FB5] =	sst s7  }
0x10: {  	[smem:$0x3FB6] =	sst s8  }
0x11: {  	[smem:$0x3FB7] =	sst s9;
	s0 =	simm.s32 @!p0 $0x0  }
0x12: {  	s1 =	sld [smem:$0x3F9D];
	s0 =	simm.s32 @p0 $0x1  }
0x13: {  	[smem:$0x3FB8] =	sst s0;
	s0 =	simm.s32 @!p1 $0x0  }
0x14: {  	s2 =	sld [smem:$0x3F9C];
	s0 =	simm.s32 @p1 $0x1  }
0x15: {  	[smem:$0x3FB9] =	sst s0;
	s0 =	simm.s32 @!p2 $0x0  }
0x16: {  	s3 =	sld [smem:$0x3FDB];
	s0 =	simm.s32 @p2 $0x1  }
0x17: {  	s4 =	simm.s32 $0x1BF5;
	[smem:$0x3FBB] =	sst s0  }
0x18: {  	s0 =	sld [smem:$0x3F9E];
	_ =	swait.ge [sflag:s4], $0x0  }
0x19: {  	s7 =	sld [smem:$0x3F9F]  }
0x1a: {  	s8 =	sadd.s32 $0xFFFFE003, lr  }
0x1b: {  	s9 =	sadd.s32 $0xFFFFFEF7, lr;
	s5 =	simm.s32 $0xFFFFFFFF;
	p2 =	slt.u32 s8, $0xFFFFF086  }
0x1c: {  	p1 =	slt.u32 s9, $0xF7A;
	s5 =	simm.s32 @!p2 $0x0  }
0x1d: {  	s5 =	simm.s32 @p1 $0x1;
	p0 =	seq.s32 s7, s2  }
0x1e: {  	s7 =	smul.u32 @!p0 $0xF7A, s2;
	p2 =	seq.s32 @!p0 s5, $0x0  }
0x1f: {  	s9 =	smul.u32 $0xF7A, s1;
	s8 =	simm.s32 @!p0 $0x1BF5;
	p2 =	por !p2, p0  }
0x20: {  	[sflag:s8] =	ssyncset.s32 @!p0 $0xFFFFF086;
	s6 =	sadd.s32 @!p0 s3, s7;
	s7 =	simm.s32 @!p0 $0x108  }
0x21: {  	s3 =	sadd.s32 s3, s9;
	s6 =	sadd.s32 @!p0 $0x88, s6;
	s7 =	simm.s32 @p2 $0x1082  }
0x22: {  	[simem:s7], [sflag:s8] =	dma.local @!p0 [hbm:s6], $0xF7A  }
0x23: {  	s9 =	sor.u32 $0xD0000000, s2;
	s6 =	simm.s32 $0x108;
	_ =	swait.ge @!p0 [sflag:s8], $0x0  }
0x24: {  	s3 =	sadd.s32 $0x88, s3;
	s6 =	simm.s32 @!p1 $0x1082;
	[sflag:s4] =	ssyncset.s32 $0xFFFFF086  }
0x25: {  	[simem:s6], [sflag:s4] =	dma.local [hbm:s3], $0xF7A  }
0x26: {  	[smem:$0x3F9F] =	sst s1;
	(tag) =	ssettag s2;
	_ =	strace s9  }
0x27: {  	s1 =	sld [smem:$0x3FAF]  }
0x28: {  	s2 =	sld [smem:$0x3FB0]  }
0x29: {  	s4 =	sld [smem:$0x3FB2]  }
0x2a: {  	p0 =	seq.s32 s5, $0x0;
	s5 =	sld [smem:$0x3FB3]  }
0x2b: {  	s6 =	sld [smem:$0x3FB4]  }
0x2c: {  	s7 =	sld [smem:$0x3FB5]  }
0x2d: {  	s3 =	simm.s32 $0x108;
	s8 =	sld [smem:$0x3FB6]  }
0x2e: {  	s3 =	simm.s32 @!p0 $0x1082;
	s9 =	sld [smem:$0x3FB7]  }
0x2f: {  	lr =	sadd.s32 s0, s3;
	s0 =	sld [smem:$0x3FAE]  }
0x30: {  	s3 =	sld [smem:$0x3FB1]  }
0x31: {  	[smem:$0x3FBA] =	sst s10  }
0x32: {  	s10 =	sld [smem:$0x3FB8];
	_ =	sdelay $0x3  }
0x33: {  	p0 =	seq.s32 s10, $0x1;
	s10 =	sld [smem:$0x3FBA];
	_ =	sdelay $0x3  }
0x34: {  	[smem:$0x3FBA] =	sst s10  }
0x35: {  	s10 =	sld [smem:$0x3FB9];
	_ =	sdelay $0x3  }
0x36: {  	p1 =	seq.s32 s10, $0x1;
	s10 =	sld [smem:$0x3FBA];
	_ =	sdelay $0x3  }
0x37: {  	[smem:$0x3FBA] =	sst s10  }
0x38: {  	s10 =	sld [smem:$0x3FBB]  }
0x39: {  	_ = 	snop;
	(pc) =	sbr.ind lr, $3  }
0x3a: {  	_ = 	snop  }
0x3b: {  	_ = 	snop  }
0x3c: {  	p2 =	seq.s32 s10, $0x1;
	s10 =	sld [smem:$0x3FBA]  }
0x3d: {  	_ =	shalt  }
0x3e: {  	_ =	shalt  }
0x3f: {  	_ =	shalt  }
0x40: {  	_ =	shalt  }
0x41: {  	_ =	shalt  }
0x42: {  	_ =	shalt  }
0x43: {  	_ =	shalt  }
0x44: {  	_ =	shalt  }
0x45: {  	_ =	shalt  }
0x46: {  	_ =	shalt  }
0x47: {  	_ =	shalt  }
0x48: {  	_ =	shalt  }
0x49: {  	_ =	shalt  }
0x4a: {  	_ =	shalt  }
0x4b: {  	_ =	shalt  }
0x4c: {  	_ =	shalt  }
0x4d: {  	_ =	shalt  }
0x4e: {  	_ =	shalt  }
0x4f: {  	_ =	shalt  }
0x50: {  	_ =	shalt  }
0x51: {  	_ =	shalt  }
0x52: {  	_ =	shalt  }
0x53: {  	_ =	shalt  }
0x54: {  	_ =	shalt  }
0x55: {  	_ =	shalt  }
0x56: {  	_ =	shalt  }
0x57: {  	_ =	shalt  }
0x58: {  	_ =	shalt  }
0x59: {  	_ =	shalt  }
0x5a: {  	_ =	shalt  }
0x5b: {  	_ =	shalt  }
0x5c: {  	_ =	shalt  }
0x5d: {  	_ =	shalt  }
0x5e: {  	_ =	shalt  }
0x5f: {  	_ =	shalt  }
0x60: {  	_ =	shalt  }
0x61: {  	_ =	shalt  }
0x62: {  	_ =	shalt  }
0x63: {  	_ =	shalt  }
0x64: {  	_ =	shalt  }
0x65: {  	_ =	shalt  }
0x66: {  	_ =	shalt  }
0x67: {  	_ =	shalt  }
0x68: {  	_ =	shalt  }
0x69: {  	_ =	shalt  }
0x6a: {  	_ =	shalt  }
0x6b: {  	_ =	shalt  }
0x6c: {  	_ =	shalt  }
0x6d: {  	_ =	shalt  }
0x6e: {  	_ =	shalt  }
0x6f: {  	_ =	shalt  }
0x70: {  	_ =	shalt  }
0x71: {  	_ =	shalt  }
0x72: {  	_ =	shalt  }
0x73: {  	_ =	shalt  }
0x74: {  	_ =	shalt  }
0x75: {  	_ =	shalt  }
0x76: {  	_ =	shalt  }
0x77: {  	_ =	shalt  }
0x78: {  	_ =	shalt  }
0x79: {  	_ =	shalt  }
0x7a: {  	_ =	shalt  }
0x7b: {  	_ =	shalt  }
0x7c: {  	_ =	shalt  }
0x7d: {  	_ =	shalt  }
0x7e: {  	_ =	shalt  }
0x7f: {  	_ =	shalt  }
0x80: {  	_ =	shalt  }
0x81: {  	_ =	shalt  }
0x82: {  	_ =	shalt  }
0x83: {  	_ =	shalt  }
0x84: {  	_ =	shalt  }
0x85: {  	_ =	shalt  }
0x86: {  	_ =	shalt  }
0x87: {  	_ =	shalt  }
.Lfunc_end0:
.L_simem_size_0:
called_computation_lowered:
.L_overlay_start_0:
0x88: {  	s2 =	sld [smem:$0x3FD9]  }
0x89: {  	s3 =	sld [smem:$0x3FFE];
	_ =	sdelay $0x1  }
0x8a: {  	s1 =	srdreg.scid  }
0x8b: {  	s0 =	sand.u32 $0x1, s1  }
0x8c: {  	s17 =	sshll.u32 s0, $0xA;
	s2 =	sadd.s32 s3, s2  }
0x8d: {  	s2 =	sadd.s32 s2, s17  }
0x8e: {  	[smem:$0x3FC6] =	sst s2  }
0x8f: {  	_ = 	snop  }
0x90: {  	s2 =	sld [smem:$0x3FC9]  }
0x91: {  	s18 =	sld [smem:$0x3FC8];
	(tm) =	ssettm $0x1  }
0x92: {  	s4 =	sld [smem:$0x3FFB];
	_ =	sdelay $0x3  }
0x93: {  	_ =	strace s4  }
0x94: {  	s4 =	sld [smem:$0x3FFC];
	_ =	sdelay $0x3  }
0x95: {  	_ =	strace s4  }
0x96: {  	s4 =	sld [smem:$0x3FFD];
	_ =	sdelay $0x3  }
0x97: {  	_ =	strace s4  }
0x98: {  	_ =	strace $0x8FFFFFFF  }
0x99: {  	s19 =	sld [smem:$0x3FDB];
	_ =	sdelay $0x1  }
0x9a: {  	s5 =	simm.s32 $_scs_section_size  }
0x9b: {  	s6 =	simm.s32 $_size__tile_overlayer_lowered;
	s7 =	simm.s32 $_tile_overlayer_lowered  }
0x9c: {  	s22 =	simm.s32 $0x1BFF;
	s21 =	sshll.u32 s7, $0x1;
	s4 =	sadd.s32 s5, s19  }
0x9d: {  	s8 =	simm.s32 $0x0;
	s20 =	sshll.u32 s6, $0x1;
	s6 =	sadd.s32 s21, s4  }
0x9e: {  	[timem:s8], [sflag:s22] =	dma.local [hbm:s6], s20  }
0x9f: {  	_ =	swait.ge [sflag:s22], s20  }
0xa0: {  	s5 =	ssub.s32 $0x0, s20;
	[sflag:s22] =	ssyncset.done $0x0  }
0xa1: {  	[sflag:s22] =	ssyncadd.s32 s5;
	_ =	sdelay $0x1  }
0xa2: {  	s23 =	simm.s32 $0x1B8B  }
0xa3: {  	_ =	swait.ge [sflag:s23], $0x1  }
0xa4: {  	[sflag:s23] =	ssyncset.done $0x0  }
0xa5: {  	s25 =	simm.s32 $0x1B8E;
	s24 =	sld [smem:$0x3FFE];
	[sflag:s23] =	ssyncadd.s32 $0xFFFFFFFF  }
0xa6: {  	s26 =	simm.s32 $execute0_lowered;
	[smem:$0x3FD2] =	sst s25  }
0xa7: {  	s6 =	sshll.u32 s26, $0x1;
	_ =	strace $0x80000046;
	[dreg:$0x1] =	wrdreg $0xFFFFFFFF  }
0xa8: {  	s28 =	simm.s32 $_size_execute0_lowered;
	s4 =	sadd.s32 s4, s6;
	[dreg:$0x0] =	wrdreg $0x0  }
0xa9: {  	s6 =	sshll.u32 s28, $0x1;
	[dreg:$0x2] =	wrdreg s4  }
0xaa: {  	[dreg:$0x3] =	wrdreg s6  }
0xab: {  	[dreg:$0x4] =	wrdreg $0xC0  }
0xac: {  	_ =	task [dreg:s8], $0x5FFFF  }
0xad: {  	[dreg:$0x1] =	wrdreg $0xFFFFFFFF  }
0xae: {  	[dreg:$0x0] =	wrdreg $0x60  }
0xaf: {  	[dreg:$0x2] =	wrdreg s2  }
0xb0: {  	[dreg:$0x3] =	wrdreg s18  }
0xb1: {  	[dreg:$0x4] =	wrdreg s24  }
0xb2: {  	[dreg:$0x5] =	wrdreg $0x9  }
0xb3: {  	_ =	task.clear_ibuf [dreg:s8], $0x6FFFF;
	_ =	strace $0x90000046  }
0xb4: {  	s29 =	simm.s32 $0x9;
	_ =	strace $0x8000004E  }
0xb5: {  	_ =	swait.ge [sflag:s29], $0x1  }
0xb6: {  	[sflag:s29] =	ssyncadd.s32 $0xFFFFFFFF  }
0xb7: {  	_ =	strace $0x9000004E  }
0xb8: {  	_ =	sfence  }
0xb9: {  	s30 =	sld [smem:$0x0];
	_ =	sdelay $0x2  }
0xba: {  	s31 =	sshll.u32 s1, $0xD;
	s1 =	sshrl.u32 s1, $0x2  }
0xbb: {  	s3 =	sand.u32 $0x4000, s31;
	s1 =	sadd.s32 s1, s30  }
0xbc: {  	s0 =	sor.u32 s3, s0;
	s1 =	sshll.u32 s1, $0x11  }
0xbd: {  	s0 =	sor.u32 s1, s0  }
0xbe: {  	s0 =	sadd.s32 $0x8F2B, s0  }
0xbf: {  	[sflag:s0] =	ssyncadd.remote.s32 $0x1  }
0xc0: {  	_ =	sfence.sel $0xFFFF  }
0xc1: {  	[dreg:$0x0] =	wrdreg $0xFFFFFFFF;
	(pc) =	sbr.abs _section_cstart, $3  }
0xc2: {  	[dreg:$0x1] =	wrdreg $0xFFFFFFFF  }
0xc3: {  	_ =	task.clear_ibuf [dreg:s8], $0x2FFFF;
	_ =	strace $0x9FFFFFFF  }
0xc4: {  	(tm) =	ssettm $0x7FFFFFFF  }
0xc5: {  	_ =	shalt  }
tec
execute0_lowered:
.L_overlay_start_1:
0x0: {  	(tag) =	ssettag $0x1  }
0x1: {  	s1 =	rddreg [dreg:$0x0]  }
0x2: {  	s2 =	rddreg [dreg:$0x1]  }
0x3: {  	s0 =	rddreg [dreg:$0x2]  }
0x4: {  	s3 =	simm.s32 $0x0;
	s4 =	srdreg.scid;
	s7 =	stileid.u32  }
0x5: {  	s10 =	simm.s32 $0x8880;
	s11 =	simm.s32 $0x10880;
	s12 =	simm.s32 $0x1  }
0x6: {  	s13 =	simm.s32 $0x80;
	s14 =	simm.s32 $0x400;
	s15 =	simm.s32 $0x8080  }
0x7: {  	s16 =	simm.s32 $0x0;
	[smem:$0x7FF] =	sst s3;
	s4 =	sand.u32 $0x1, s4  }
0x8: {  	s28 =	sshll.u32 s7, $0x5;
	s29 =	sshll.u32 s7, $0x9;
	s5 =	ssub.s32 $0x2, s4  }
0x9: {  	s4 =	sshll.u32 s4, $0x4;
	s30 =	sand.u32 $0x60, s28;
	s31 =	sand.u32 $0x1800, s29  }
0xa: {  	s6 =	sshrl.u32 s5, $0x1;
	s0 =	sadd.s32 s4, s0;
	s4 =	sor.u32 s7, s4  }
0xb: {  	s9 =	ssub.s32 s5, s6;
	s5 =	sshll.u32 s4, $0xE;
	s0 =	sadd.s32 s30, s0  }
0xc: {  	v1 =	vlaneseq.u32;
	_ =	strace $0x80000047;
	s6 =	sadd.s32 s1, s5;
	s0 =	sadd.s32 s31, s0  }
0xd: {  	v0 =	vimm.f32 $0.0e+00;
	v2 =	vimm.f32 $1.000000000e+00;
	v1 =	vmul.u32 $0x801, v1;
	s7 =	sadd.s32 s2, s5;
	s9 =	smax.u32 s9, $0x1;
	s8 =	sadd.s32 $0x600, s0  }
.LBB2_1:
0xe: {  	s0 =	simm.s32 $0x20  }
0xf: {  	[tilespmem:s0+$0xFFFFFFE0] =	vst v0  }
0x10: {  	[tilespmem:s0+$0x10] =	vst v0  }
0x11: {  	s4 =	simm.s32 $0x0;
	[tilespmem:s0+$0x0] =	vst v0  }
.LBB2_2:
0x12: {  	s4 =	sadd.s32 $0x40, s4  }
0x13: {  	[tilespmem:s0+$0xFFFFFFF0] =	vst v0;
	s0 =	sadd.s32 $0x40, s0;
	p0 =	slt.u32 s4, $0x7FC0  }
.Ltmp0:
0x14: {  	[tilespmem:s0+$0xFFFFFFE0] =	vst v0;
	(pc) =	sbr.rel @p0 .LBB2_2-.Ltmp0, $3  }
0x15: {  	_ =	sdelay $0x1  }
0x16: {  	[tilespmem:s0+$0x10] =	vst v0  }
0x17: {  	[tilespmem:s0+$0x0] =	vst v0  }
0x18: {  	[tilespmem:s0+$0xFFFFFFF0] =	vst v0  }
0x19: {  	[tilespmem:$0x8000] =	vst v0  }
0x1a: {  	s22 =	simm.s32 $0x0;
	_ =	strace $0x80000048  }
0x1b: {  	[tilespmem:s10], [sflag:$0x1] =	stream.linear.gather [hbm4b:s6+s22], $0x4000, $0x200038;
	[tilespmem:$0x18880] =	vst v63  }
0x1c: {  	s17 =	simm.s32 $0x1;
	s18 =	simm.s32 $0x0;
	s19 =	simm.s32 $0x1  }
0x1d: {  	[tilespmem:s11], [sflag:$0x3] =	stream.linear.gather [hbm4b:s7+s22], $0x4000, $0x200038;
	[tilespmem:$0x18880] =	vst v63  }
0x1e: {  	s20 =	simm.s32 $0x0;
	s21 =	simm.s32 $0x0;
	_ =	strace $0x90000048  }
.LBB2_4:
0x1f: {  	s23 =	sadd.s32 $0x1, s22  }
0x20: {  	p0 =	seq.s32 s23, $0x8  }
0x21: {  	s23 =	simm.s32 @p0 $0x0;
	p0 =	seq.s32 s21, $0x7  }
0x22: {  	p1 =	seq.s32 @!p0 s22, s23  }
0x23: {  	p2 =	por p1, p0  }
0x24: {  	s24 =	sshll.u32 @!p2 s23, $0xB  }
0x25: {  	s4 =	sand.u32 @!p2 $0x1, s17;
	_ =	strace @!p2 $0x80000049;
	s24 =	sadd.s32 @!p2 s24, s5  }
0x26: {  	s28 =	simm.s32 @!p2 $0x0;
	s25 =	sshll.u32 @!p2 s4, $0xE;
	s24 =	sand.u32 @!p2 $0x1FFFF800, s24  }
0x27: {  	s4 =	sadd.s32 @!p2 $0x1, s4;
	s25 =	sor.u32 @!p2 $0x8880, s25;
	s26 =	sadd.s32 @!p2 s1, s24  }
0x28: {  	[tilespmem:s25], [sflag:s4] =	stream.linear.gather @!p2 [hbm4b:s26+s28], $0x4000, $0x200038;
	[tilespmem:$0x18880] =	vst v63  }
0x29: {  	s4 =	sand.u32 @!p2 $0x1, s19  }
0x2a: {  	s24 =	sadd.s32 @!p2 s2, s24;
	_ =	strace @!p2 $0x90000049;
	s25 =	sshll.u32 @!p2 s4, $0xE  }
0x2b: {  	s4 =	sadd.s32 @!p2 $0x3, s4;
	_ =	strace @!p2 $0x8000004A;
	s25 =	sor.u32 @!p2 $0x10880, s25  }
0x2c: {  	[tilespmem:s25], [sflag:s4] =	stream.linear.gather @!p2 [hbm4b:s24+s28], $0x4000, $0x200038;
	[tilespmem:$0x18880] =	vst v63  }
0x2d: {  	s25 =	sand.u32 $0x1, s20;
	_ =	strace @!p2 $0x9000004A  }
0x2e: {  	s26 =	sadd.s32 $0x1, s25;
	_ =	strace $0x8000004B  }
0x2f: {  	_ =	swait.ge [sflag:s26], $0x4000  }
0x30: {  	s0 =	smov.u32 s17;
	[sflag:s26] =	ssyncset.done $0x0  }
0x31: {  	s31 =	sand.u32 $0x1, s18;
	s29 =	simm.s32 $0x0;
	[sflag:s26] =	ssyncadd.s32 $0xFFFFC000  }
0x32: {  	s30 =	simm.s32 $0x0;
	p1 =	por !p1, p0;
	_ =	strace $0x9000004B  }
0x33: {  	s28 =	sadd.s32 $0x3, s31;
	s24 =	simm.s32 $0x0;
	_ =	strace $0x8000004C  }
0x34: {  	s31 =	sshll.u32 s31, $0xE;
	s24 =	simm.s32 @p1 $0x1;
	_ =	swait.ge [sflag:s28], $0x4000  }
0x35: {  	s24 =	simm.s32 @p0 $0x0;
	s26 =	sadd.s32 @!p2 $0x1, s17;
	[sflag:s28] =	ssyncset.done $0x0  }
0x36: {  	s17 =	smov.u32 @p1 s26;
	s26 =	sshll.u32 s25, $0xE;
	[sflag:s28] =	ssyncadd.s32 $0xFFFFC000  }
0x37: {  	s17 =	smov.u32 @p0 s0;
	s25 =	sor.u32 $0x88C0, s26;
	_ =	strace $0x9000004C  }
0x38: {  	s26 =	sor.u32 $0x108C0, s31;
	s28 =	simm.s32 $0x0;
	_ =	strace $0x8000004D  }
.LBB2_5:
0x39: {  	s0 =	sshll.u32 s29, $0x2;
	s4 =	sand.u32 $0x7, s28  }
0x3a: {  	s0 =	sand.u32 $0xFFFFC000, s0;
	s4 =	sshll.u32 s4, $0x9  }
0x3b: {  	s0 =	sor.u32 s4, s0  }
0x3c: {  	s0 =	sshrl.u32 s0, $0x2  }
0x3d: {  	s4 =	sadd.s32 s0, s25  }
0x3e: {  	v3 =	vld [tilespmem:s4+$0x30]  }
0x3f: {  	v4 =	vld [tilespmem:s4+$0xFFFFFFD0]  }
0x40: {  	v5 =	vld [tilespmem:s4+$0xFFFFFFE0]  }
0x41: {  	v6 =	vld [tilespmem:s4+$0xFFFFFFF0]  }
0x42: {  	v7 =	vld [tilespmem:s4+$0x0]  }
0x43: {  	v8 =	vld [tilespmem:s4+$0x10]  }
0x44: {  	v9 =	vld [tilespmem:s4+$0x20]  }
0x45: {  	s31 =	sadd.s32 s0, s26;
	v10 =	vld [tilespmem:s4+$0xFFFFFFC0]  }
0x46: {  	v11 =	vld [tilespmem:s31+$0x30]  }
0x47: {  	v3 =	vmul.f32 $6.400000000e+01, v3;
	v4 =	vmul.f32 $6.400000000e+01, v4  }
0x48: {  	v5 =	vmul.f32 $6.400000000e+01, v5;
	v6 =	vmul.f32 $6.400000000e+01, v6  }
0x49: {  	v7 =	vmul.f32 $6.400000000e+01, v7;
	v8 =	vmul.f32 $6.400000000e+01, v8;
	v3 =	vsub.f32 $5.120000000e+02, v3  }
0x4a: {  	v9 =	vmul.f32 $6.400000000e+01, v9;
	v10 =	vmul.f32 $6.400000000e+01, v10  }
0x4b: {  	v11 =	vshll.u32 v11, $0xA;
	v4 =	vsub.f32 $5.120000000e+02, v4;
	v3 =	vmax.f32 v3, $0.0e+00  }
0x4c: {  	v5 =	vsub.f32 $5.120000000e+02, v5;
	v6 =	vsub.f32 $5.120000000e+02, v6;
	v3 =	vmin.f32 v3, $1.023000000e+03  }
0x4d: {  	v7 =	vsub.f32 $5.120000000e+02, v7;
	v8 =	vsub.f32 $5.120000000e+02, v8;
	v3 =	vtrunc.f32 v3  }
0x4e: {  	v9 =	vsub.f32 $5.120000000e+02, v9;
	v10 =	vsub.f32 $5.120000000e+02, v10;
	v3 =	vcvt.f32.s32 v3  }
0x4f: {  	v4 =	vmax.f32 v4, $0.0e+00;
	v5 =	vmax.f32 v5, $0.0e+00;
	v6 =	vmax.f32 v6, $0.0e+00  }
0x50: {  	v14 =	vld [tilespmem:s31+$0xFFFFFFE0];
	v7 =	vmax.f32 v7, $0.0e+00;
	v10 =	vmax.f32 v10, $0.0e+00;
	v3 =	vadd.s32 v3, v11  }
0x51: {  	v8 =	vmax.f32 v8, $0.0e+00;
	v9 =	vmax.f32 v9, $0.0e+00;
	v13 =	vadd.s32 v1, v3;
	v3 =	vld [tilespmem:s31+$0xFFFFFFD0]  }
0x52: {  	v10 =	vmin.f32 v10, $1.023000000e+03;
	v4 =	vmin.f32 v4, $1.023000000e+03;
	v12 =	vmin.f32 v5, $1.023000000e+03;
	v11 =	vld [tilespmem:s31+$0xFFFFFFC0]  }
0x53: {  	v17 =	vld [tilespmem:s31+$0xFFFFFFF0];
	v15 =	vmin.f32 v6, $1.023000000e+03;
	v16 =	vmin.f32 v7, $1.023000000e+03;
	v8 =	vmin.f32 v8, $1.023000000e+03  }
0x54: {  	v19 =	vmin.f32 v9, $1.023000000e+03;
	v5 =	vld [tilespmem:s31+$0x0];
	v10 =	vtrunc.f32 v10;
	v18 =	vtrunc.f32 v4  }
0x55: {  	v20 =	vtrunc.f32 v12;
	v4 =	vld [tilespmem:s31+$0x10];
	v9 =	vtrunc.f32 v8;
	v8 =	vshll.u32 v14, $0xA  }
0x56: {  	v12 =	vcvt.f32.s32 v10;
	v10 =	vtrunc.f32 v19;
	v7 =	vshll.u32 v3, $0xA;
	v3 =	vld [tilespmem:s31+$0x20]  }
0x57: {  	v14 =	vcvt.f32.s32 v20;
	v6 =	vshll.u32 v11, $0xA;
	v11 =	vtrunc.f32 v15  }
0x58: {  	s0 =	simm.s32 $0x0;
	s4 =	sadd.s32 $0x400, s4;
	v15 =	vtrunc.f32 v16;
	v16 =	vcvt.f32.s32 v18;
	[tilespmem:v13+s3+$0x0] =	vst.idx.add.f32.msk $0xffff, v2;
	v13 =	vshll.u32 v17, $0xA  }
.LBB2_6:
0x59: {  	v17 =	vld [tilespmem:s4+$0x30];
	s0 =	sadd.s32 $0x80, s0;
	v11 =	vcvt.f32.s32 v11;
	v15 =	vcvt.f32.s32 v15;
	v5 =	vshll.u32 v5, $0xA  }
0x5a: {  	v9 =	vcvt.f32.s32 v9;
	v4 =	vshll.u32 v4, $0xA;
	v10 =	vcvt.f32.s32 v10;
	v18 =	vld [tilespmem:s4+$0xFFFFFFD0];
	p1 =	slt.u32 s0, $0x180  }
0x5b: {  	v6 =	vadd.s32 v12, v6;
	v3 =	vshll.u32 v3, $0xA;
	v7 =	vadd.s32 v16, v7;
	v19 =	vld [tilespmem:s4+$0xFFFFFFE0]  }
0x5c: {  	v8 =	vadd.s32 v14, v8;
	v11 =	vadd.s32 v11, v13;
	v5 =	vadd.s32 v15, v5;
	v12 =	vld [tilespmem:s4+$0xFFFFFFF0]  }
0x5d: {  	v6 =	vadd.s32 v1, v6;
	v4 =	vadd.s32 v9, v4;
	v3 =	vadd.s32 v10, v3;
	v13 =	vld [tilespmem:s4+$0x0]  }
0x5e: {  	v7 =	vadd.s32 v1, v7;
	v8 =	vadd.s32 v1, v8;
	v9 =	vld [tilespmem:s4+$0x10];
	v10 =	vmul.f32 $6.400000000e+01, v17  }
0x5f: {  	v11 =	vadd.s32 v1, v11;
	v16 =	vadd.s32 v1, v5;
	v14 =	vmul.f32 $6.400000000e+01, v18;
	v15 =	vld [tilespmem:s4+$0x20]  }
0x60: {  	s31 =	sadd.s32 $0x400, s31;
	v18 =	vadd.s32 v1, v4;
	v5 =	vld [tilespmem:s4+$0xFFFFFFC0];
	v17 =	vmul.f32 $6.400000000e+01, v19;
	v10 =	vsub.f32 $5.120000000e+02, v10  }
0x61: {  	v19 =	vadd.s32 v1, v3;
	v4 =	vsub.f32 $5.120000000e+02, v14;
	v12 =	vmul.f32 $6.400000000e+01, v12;
	v14 =	vld [tilespmem:s31+$0x30]  }
0x62: {  	v20 =	vld [tilespmem:s31+$0xFFFFFFC0];
	v3 =	vsub.f32 $5.120000000e+02, v17;
	v13 =	vmul.f32 $6.400000000e+01, v13;
	v10 =	vmax.f32 v10, $0.0e+00  }
0x63: {  	v17 =	vld [tilespmem:s31+$0xFFFFFFD0];
	v12 =	vsub.f32 $5.120000000e+02, v12;
	v9 =	vmul.f32 $6.400000000e+01, v9;
	v10 =	vmin.f32 v10, $1.023000000e+03  }
0x64: {  	v21 =	vld [tilespmem:s31+$0xFFFFFFE0];
	v13 =	vsub.f32 $5.120000000e+02, v13;
	v15 =	vmul.f32 $6.400000000e+01, v15;
	v10 =	vtrunc.f32 v10  }
0x65: {  	v22 =	vmul.f32 $6.400000000e+01, v5;
	v23 =	vld [tilespmem:s31+$0xFFFFFFF0];
	v9 =	vsub.f32 $5.120000000e+02, v9;
	v10 =	vcvt.f32.s32 v10  }
0x66: {  	v24 =	vmax.f32 v4, $0.0e+00;
	v5 =	vld [tilespmem:s31+$0x0];
	v15 =	vsub.f32 $5.120000000e+02, v15;
	v14 =	vshll.u32 v14, $0xA  }
0x67: {  	v25 =	vmax.f32 v3, $0.0e+00;
	v22 =	vsub.f32 $5.120000000e+02, v22;
	v4 =	vld [tilespmem:s31+$0x10];
	v10 =	vadd.s32 v10, v14  }
0x68: {  	v12 =	vmax.f32 v12, $0.0e+00;
	v13 =	vmax.f32 v13, $0.0e+00;
	v3 =	vld [tilespmem:s31+$0x20];
	v10 =	vadd.s32 v1, v10  }
0x69: {  	v9 =	vmax.f32 v9, $0.0e+00;
	v15 =	vmax.f32 v15, $0.0e+00;
	v14 =	vmax.f32 v22, $0.0e+00;
	[tilespmem:v6+s3+$0x0] =	vst.idx.add.f32.msk $0xffff, v2  }
0x6a: {  	v22 =	vmin.f32 v25, $1.023000000e+03;
	v6 =	vmin.f32 v14, $1.023000000e+03;
	v14 =	vmin.f32 v24, $1.023000000e+03;
	[tilespmem:v7+s3+$0x0] =	vst.idx.add.f32.msk $0xffff, v2  }
0x6b: {  	v9 =	vmin.f32 v9, $1.023000000e+03;
	v7 =	vmin.f32 v12, $1.023000000e+03;
	v12 =	vmin.f32 v13, $1.023000000e+03;
	[tilespmem:v8+s3+$0x0] =	vst.idx.add.f32.msk $0xffff, v2  }
.Ltmp1:
0x6c: {  	v8 =	vtrunc.f32 v6;
	v13 =	vtrunc.f32 v14;
	v14 =	vmin.f32 v15, $1.023000000e+03;
	[tilespmem:v11+s3+$0x0] =	vst.idx.add.f32.msk $0xffff, v2;
	(pc) =	sbr.rel @p1 .LBB2_6-.Ltmp1, $4  }
0x6d: {  	v6 =	vshll.u32 v20, $0xA;
	v20 =	vtrunc.f32 v22;
	v11 =	vtrunc.f32 v7;
	[tilespmem:v10+s3+$0x0] =	vst.idx.add.f32.msk $0xffff, v2  }
0x6e: {  	v9 =	vtrunc.f32 v9;
	v15 =	vtrunc.f32 v12;
	v7 =	vshll.u32 v17, $0xA;
	[tilespmem:v16+s3+$0x0] =	vst.idx.add.f32.msk $0xffff, v2  }
0x6f: {  	v12 =	vcvt.f32.s32 v8;
	v8 =	vshll.u32 v21, $0xA;
	v10 =	vtrunc.f32 v14;
	[tilespmem:v18+s3+$0x0] =	vst.idx.add.f32.msk $0xffff, v2  }
0x70: {  	s4 =	sadd.s32 $0x400, s4;
	v14 =	vcvt.f32.s32 v20;
	v16 =	vcvt.f32.s32 v13;
	v13 =	vshll.u32 v23, $0xA;
	[tilespmem:v19+s3+$0x0] =	vst.idx.add.f32.msk $0xffff, v2  }
0x71: {  	v11 =	vcvt.f32.s32 v11;
	v15 =	vcvt.f32.s32 v15;
	v6 =	vadd.s32 v12, v6  }
0x72: {  	v5 =	vshll.u32 v5, $0xA;
	v7 =	vadd.s32 v16, v7;
	v6 =	vadd.s32 v1, v6  }
0x73: {  	v9 =	vcvt.f32.s32 v9;
	v8 =	vadd.s32 v14, v8;
	v7 =	vadd.s32 v1, v7  }
0x74: {  	v4 =	vshll.u32 v4, $0xA;
	v11 =	vadd.s32 v11, v13;
	v8 =	vadd.s32 v1, v8  }
0x75: {  	v10 =	vcvt.f32.s32 v10;
	v5 =	vadd.s32 v15, v5;
	v11 =	vadd.s32 v1, v11  }
0x76: {  	v3 =	vshll.u32 v3, $0xA;
	v4 =	vadd.s32 v9, v4;
	v5 =	vadd.s32 v1, v5  }
0x77: {  	s30 =	sadd.s32 $0x1, s30;
	v3 =	vadd.s32 v10, v3;
	v4 =	vadd.s32 v1, v4;
	[tilespmem:v6+s3+$0x0] =	vst.idx.add.f32.msk $0xffff, v2  }
0x78: {  	p1 =	sne.s32 s30, $0x20;
	v3 =	vadd.s32 v1, v3;
	[tilespmem:v7+s3+$0x0] =	vst.idx.add.f32.msk $0xffff, v2  }
.Ltmp2:
0x79: {  	[tilespmem:v8+s3+$0x0] =	vst.idx.add.f32.msk $0xffff, v2;
	(pc) =	sbr.rel @p1 .LBB2_5-.Ltmp2, $4  }
0x7a: {  	[tilespmem:v11+s3+$0x0] =	vst.idx.add.f32.msk $0xffff, v2  }
0x7b: {  	[tilespmem:v5+s3+$0x0] =	vst.idx.add.f32.msk $0xffff, v2  }
0x7c: {  	[tilespmem:v4+s3+$0x0] =	vst.idx.add.f32.msk $0xffff, v2  }
0x7d: {  	s29 =	sadd.s32 $0x200, s29;
	s28 =	sadd.s32 $0x1, s28;
	[tilespmem:v3+s3+$0x0] =	vst.idx.add.f32.msk $0xffff, v2  }
0x7e: {  	p1 =	sne.s32 s22, s23  }
0x7f: {  	s0 =	simm.s32 $0x1;
	s21 =	sadd.s32 $0x1, s21;
	p0 =	por p0, p1  }
0x80: {  	s0 =	simm.s32 @!p0 $0x0;
	p0 =	sne.s32 s21, $0x8  }
.Ltmp3:
0x81: {  	_ = 	snop;
	(pc) =	sbr.rel @p0 .LBB2_4-.Ltmp3, $3  }
0x82: {  	_ =	sdelay $0x1  }
0x83: {  	s19 =	sadd.s32 s19, s24;
	_ =	strace $0x9000004D  }
0x84: {  	s22 =	smov.u32 s23;
	s20 =	sadd.s32 s0, s20;
	s18 =	sadd.s32 s0, s18  }
0x85: {  	s17 =	simm.s32 $0x0  }
0x86: {  	v3 =	vld [tilespmem:s17+$0x10]  }
0x87: {  	v4 =	vld [tilespmem:s17+$0x811]  }
0x88: {  	v5 =	vld [tilespmem:s17+$0x0]  }
0x89: {  	v6 =	vld [tilespmem:s17+$0x1012]  }
0x8a: {  	v7 =	vld [tilespmem:s17+$0x801]  }
0x8b: {  	v8 =	vld [tilespmem:s17+$0x1813]  }
0x8c: {  	v9 =	vld [tilespmem:s17+$0x1002];
	v3 =	vadd.f32 v4, v3  }
0x8d: {  	v4 =	vld [tilespmem:s17+$0x2014]  }
0x8e: {  	v10 =	vld [tilespmem:s17+$0x1803];
	v3 =	vadd.f32 v6, v3  }
0x8f: {  	v5 =	vadd.f32 v7, v5;
	v6 =	vld [tilespmem:s17+$0x2815]  }
0x90: {  	v7 =	vld [tilespmem:s17+$0x2004];
	v3 =	vadd.f32 v8, v3  }
0x91: {  	v5 =	vadd.f32 v9, v5;
	v8 =	vld [tilespmem:s17+$0x3016]  }
0x92: {  	v9 =	vld [tilespmem:s17+$0x2805];
	v3 =	vadd.f32 v4, v3  }
0x93: {  	v5 =	vadd.f32 v10, v5;
	v4 =	vld [tilespmem:s17+$0x3817]  }
0x94: {  	v10 =	vld [tilespmem:s17+$0x3006];
	v3 =	vadd.f32 v6, v3  }
0x95: {  	v5 =	vadd.f32 v7, v5;
	v6 =	vld [tilespmem:s17+$0x4018]  }
0x96: {  	v7 =	vld [tilespmem:s17+$0x3807];
	v3 =	vadd.f32 v8, v3  }
0x97: {  	v5 =	vadd.f32 v9, v5;
	v8 =	vld [tilespmem:s17+$0x4819]  }
0x98: {  	v9 =	vld [tilespmem:s17+$0x4008];
	v3 =	vadd.f32 v4, v3  }
0x99: {  	v5 =	vadd.f32 v10, v5;
	v4 =	vld [tilespmem:s17+$0x501A]  }
0x9a: {  	v10 =	vld [tilespmem:s17+$0x4809];
	v3 =	vadd.f32 v6, v3  }
0x9b: {  	v11 =	vld [tilespmem:s17+$0x581B];
	v5 =	vadd.f32 v7, v5  }
0x9c: {  	v7 =	vld [tilespmem:s17+$0x500A];
	v3 =	vadd.f32 v8, v3  }
0x9d: {  	v5 =	vadd.f32 v9, v5;
	v8 =	vld [tilespmem:s17+$0x601C]  }
0x9e: {  	v9 =	vld [tilespmem:s17+$0x580B];
	v3 =	vadd.f32 v4, v3  }
0x9f: {  	v12 =	vld [tilespmem:s17+$0x681D];
	v4 =	vadd.f32 v10, v5  }
0xa0: {  	v6 =	vld [tilespmem:s17+$0x600C];
	v5 =	vadd.f32 v11, v3  }
0xa1: {  	v3 =	vld [tilespmem:s17+$0x701E];
	v7 =	vadd.f32 v7, v4  }
0xa2: {  	v4 =	vld [tilespmem:s17+$0x680D];
	v8 =	vadd.f32 v8, v5  }
0xa3: {  	v5 =	vld [tilespmem:s17+$0x781F];
	v9 =	vadd.f32 v9, v7  }
0xa4: {  	s0 =	simm.s32 $0x0;
	s4 =	simm.s32 $0x80;
	v7 =	vld [tilespmem:s17+$0x700E];
	v8 =	vadd.f32 v12, v8  }
.LBB2_10:
0xa5: {  	s18 =	sshra.s32 s4, $0x2;
	v6 =	vadd.f32 v6, v9;
	v9 =	vld [tilespmem:s17+$0x780F]  }
0xa6: {  	s0 =	sadd.s32 $0x20, s0;
	v10 =	vld [tilespmem:s18+$0x10];
	v3 =	vadd.f32 v3, v8  }
0xa7: {  	p0 =	slt.u32 s0, $0x7E0;
	v8 =	vld [tilespmem:s18+$0x811];
	v4 =	vadd.f32 v4, v6  }
0xa8: {  	v6 =	vld [tilespmem:s18+$0x0];
	v3 =	vadd.f32 v5, v3  }
0xa9: {  	v5 =	vld [tilespmem:s18+$0x1012];
	v4 =	vadd.f32 v7, v4  }
0xaa: {  	v7 =	vld [tilespmem:s18+$0x801];
	[tilespmem:s17+$0x8090] =	vst v3  }
0xab: {  	v3 =	vld [tilespmem:s18+$0x1813];
	v4 =	vadd.f32 v9, v4  }
0xac: {  	v9 =	vld [tilespmem:s18+$0x1002];
	v8 =	vadd.f32 v8, v10  }
0xad: {  	v10 =	vld [tilespmem:s18+$0x2014];
	[tilespmem:s17+$0x8080] =	vst v4;
	s17 =	smov.u32 s18  }
0xae: {  	v4 =	vld [tilespmem:s17+$0x1803];
	v5 =	vadd.f32 v5, v8  }
0xaf: {  	v6 =	vadd.f32 v7, v6;
	v7 =	vld [tilespmem:s17+$0x2815]  }
0xb0: {  	v8 =	vld [tilespmem:s17+$0x2004];
	v3 =	vadd.f32 v3, v5  }
0xb1: {  	v5 =	vadd.f32 v9, v6;
	v6 =	vld [tilespmem:s17+$0x3016]  }
0xb2: {  	v9 =	vld [tilespmem:s17+$0x2805];
	v3 =	vadd.f32 v10, v3  }
0xb3: {  	v4 =	vadd.f32 v4, v5;
	v5 =	vld [tilespmem:s17+$0x3817]  }
0xb4: {  	v10 =	vld [tilespmem:s17+$0x3006];
	v3 =	vadd.f32 v7, v3  }
0xb5: {  	v4 =	vadd.f32 v8, v4;
	v7 =	vld [tilespmem:s17+$0x4018]  }
0xb6: {  	v8 =	vld [tilespmem:s17+$0x3807];
	v3 =	vadd.f32 v6, v3  }
0xb7: {  	v4 =	vadd.f32 v9, v4;
	v6 =	vld [tilespmem:s17+$0x4819]  }
0xb8: {  	v9 =	vld [tilespmem:s17+$0x4008];
	v3 =	vadd.f32 v5, v3  }
0xb9: {  	v4 =	vadd.f32 v10, v4;
	v5 =	vld [tilespmem:s17+$0x501A]  }
0xba: {  	v10 =	vld [tilespmem:s17+$0x4809];
	v3 =	vadd.f32 v7, v3  }
0xbb: {  	v4 =	vadd.f32 v8, v4;
	v7 =	vld [tilespmem:s17+$0x581B]  }
0xbc: {  	v8 =	vld [tilespmem:s17+$0x500A];
	v3 =	vadd.f32 v6, v3  }
0xbd: {  	v4 =	vadd.f32 v9, v4;
	v9 =	vld [tilespmem:s17+$0x601C]  }
0xbe: {  	v11 =	vld [tilespmem:s17+$0x580B];
	v3 =	vadd.f32 v5, v3  }
0xbf: {  	v4 =	vadd.f32 v10, v4;
	v10 =	vld [tilespmem:s17+$0x681D]  }
.Ltmp4:
0xc0: {  	v6 =	vld [tilespmem:s17+$0x600C];
	v5 =	vadd.f32 v7, v3;
	(pc) =	sbr.rel @p0 .LBB2_10-.Ltmp4, $4  }
0xc1: {  	v7 =	vadd.f32 v8, v4;
	v3 =	vld [tilespmem:s17+$0x701E]  }
0xc2: {  	v4 =	vld [tilespmem:s17+$0x680D];
	v8 =	vadd.f32 v9, v5  }
0xc3: {  	v9 =	vadd.f32 v11, v7;
	v5 =	vld [tilespmem:s17+$0x781F]  }
0xc4: {  	s4 =	sadd.s32 $0x80, s4;
	v7 =	vld [tilespmem:s17+$0x700E];
	v8 =	vadd.f32 v10, v8  }
0xc5: {  	v6 =	vadd.f32 v6, v9  }
0xc6: {  	v63 =	vld [tilespmem:s17+$0x780F]  }
0xc7: {  	v4 =	vadd.f32 v4, v6  }
0xc8: {  	v3 =	vadd.f32 v3, v8  }
0xc9: {  	v4 =	vadd.f32 v7, v4  }
0xca: {  	v3 =	vadd.f32 v5, v3  }
0xcb: {  	s16 =	sadd.s32 $0x1, s16;
	v4 =	vadd.f32 v63, v4  }
0xcc: {  	p0 =	sne.s32 s16, s9;
	[tilespmem:s17+$0x8090] =	vst v3  }
.Ltmp5:
0xcd: {  	[tilespmem:s17+$0x8080] =	vst v4;
	(pc) =	sbr.rel @p0 .LBB2_1-.Ltmp5, $4  }
0xce: {  	[hbm4b:s8+s13] =	stream.strided.scatter [tilespmem:s15], [sflag:$0x1], $0x800, s14, s13, $0x38;
	[tilespmem:$0x18880] =	vst v63  }
0xcf: {  	_ =	swait.ge [sflag:s12], $0x800  }
0xd0: {  	[sflag:s12] =	ssyncset.done $0x0  }
0xd1: {  	[sflag:s12] =	ssyncadd.s32 $0xFFFFF800  }
0xd2: {  	_ =	sfence.sel $0x180000  }
0xd3: {  	[bflag:$0x0] =	sbarrier.arrive $0xFFFF  }
0xd4: {  	_ =	strace $0x90000047  }
0xd5: {  	s0 =	stileid.u32;
	[bflag:$0x2] =	sbarrier.arrive $0xFFFF  }
0xd6: {  	p0 =	sne.s32 s0, $0x0;
	s0 =	rddreg [dreg:$0x3]  }
0xd7: {  	s0 =	sadd.s32 @!p0 $0x100000, s0  }
0xd8: {  	[sflag:s0] =	ssyncadd.tile.s32 @!p0 $0x1;
	_ =	shalt  }
.Lfunc_end2:
_tile_overlayer_lowered:
.L_overlay_start_2:
0xd9: {  	(tag) =	ssettag $0x2  }
0xda: {  	s0 =	rddreg [dreg:$0x0];
	s2 =	stileid.u32  }
0xdb: {  	s1 =	rddreg [dreg:$0x1];
	p0 =	sne.s32 s2, $0x0  }
0xdc: {  	s3 =	rddreg [dreg:$0x2];
	[bflag:$0x3] =	sbarrier.arrive $0xFFFF;
	s2 =	simm.s32 @!p0 $0x1C01  }
0xdd: {  	[timem:s3], [sflag:s2] =	dma.local @!p0 [hbm:s0], s1  }
0xde: {  	s0 =	simm.s32 @!p0 $0x1  }
0xdf: {  	_ =	swait.ge @!p0 [sflag:s0], s1  }
0xe0: {  	s1 =	ssub.s32 @!p0 $0x0, s1;
	[sflag:s0] =	ssyncset.done @!p0 $0x0  }
0xe1: {  	[sflag:s0] =	ssyncadd.s32 @!p0 s1  }
0xe2: {  	[bflag:$0x3] =	sbarrier.arrive $0xFFFF  }
0xe3: {  	_ =	shalt  }

</sc_bundles>
